<compile_context>
chip_gen: v7x
topology: tpu7x:2x2x1
jax: 0.10.2.dev20260603
libtpu: 0.0.44.dev20260713+nightly
codegen_flags: <defaults>
</compile_context>

<pallas_src>
import functools

import jax
import jax.numpy as jnp
import numpy as np
from jax import lax
from jax.experimental import pallas as pl
from jax.experimental.pallas import tpu as pltpu
from jax.experimental.pallas import tpu_sc as plsc

_NUM_EXPERTS = 64
_TOP_K = 8
_BLK_T = 1024
_NC = 2
_NS = 16
_L = 16


def _mlp_kernel(x_ref, w1_ref, b1_ref, w2_ref, b2_ref, e_ref):
    x = x_ref[...]
    h = jax.lax.dot_general(
        x, w1_ref[...], (((1,), (0,)), ((), ())),
        preferred_element_type=jnp.float32)
    h = jnp.maximum(h + b1_ref[...], 0.0)
    logits = jax.lax.dot_general(
        h, w2_ref[...], (((1,), (0,)), ((), ())),
        preferred_element_type=jnp.float32) + b2_ref[...]
    e_ref[...] = jnp.exp(logits)


def _routing_kernel(e_hbm, flag_hbm, out_hbm, e_v, f_v):
    rows_per_w = e_hbm.shape[0] // (_NC * _NS)
    wid = lax.axis_index("s") * _NC + lax.axis_index("c")
    base = wid * rows_per_w
    pltpu.sync_copy(e_hbm.at[pl.ds(base, rows_per_w)], e_v)
    pltpu.sync_copy(flag_hbm, f_v)
    fvec = f_v[...] != 0.0
    lane = lax.iota(jnp.int32, _L)

    def body(r, _):
        ev = [e_v[r, pl.ds(j * _L, _L)] for j in range(_NUM_EXPERTS // _L)]
        s_all = jnp.sum(ev[0] + ev[1] + ev[2] + ev[3])
        keys = [
            (lax.bitcast_convert_type(ev[j], jnp.int32) & jnp.int32(-64))
            | (jnp.int32(_NUM_EXPERTS - 1 - j * _L) - lane)
            for j in range(_NUM_EXPERTS // _L)
        ]
        for _ in range(_TOP_K):
            mx = jnp.max(jnp.maximum(jnp.maximum(keys[0], keys[1]),
                                     jnp.maximum(keys[2], keys[3])))
            keys = [jnp.where(k == mx, jnp.int32(-1), k) for k in keys]
        numer = [
            jnp.where((k < 0) | ~fvec, v, 0.0) for k, v in zip(keys, ev)
        ]
        e_sel = jnp.sum(numer[0] + numer[1] + numer[2] + numer[3])
        s_all_v = jnp.broadcast_to(s_all, (_L,))
        e_sel_v = jnp.broadcast_to(e_sel, (_L,))
        denom_v = jnp.where(fvec, e_sel_v + 1e-8 * s_all_v, s_all_v)
        for j in range(_NUM_EXPERTS // _L):
            e_v[r, pl.ds(j * _L, _L)] = numer[j] / denom_v
        return 0

    lax.fori_loop(0, rows_per_w, body, 0)
    pltpu.sync_copy(e_v, out_hbm.at[pl.ds(base, rows_per_w)])


def kernel(x, W1, b1, W2, b2, top_k):
    tokens = x.shape[0]
    nblk = tokens // _BLK_T
    b1 = jnp.reshape(b1, (1, -1))
    b2 = jnp.reshape(b2, (1, -1))
    e = pl.pallas_call(
        _mlp_kernel,
        grid=(nblk,),
        in_specs=[
            pl.BlockSpec((_BLK_T, x.shape[1]), lambda i: (i, 0)),
            pl.BlockSpec(W1.shape, lambda i: (0, 0)),
            pl.BlockSpec((1, _NUM_EXPERTS), lambda i: (0, 0)),
            pl.BlockSpec(W2.shape, lambda i: (0, 0)),
            pl.BlockSpec((1, _NUM_EXPERTS), lambda i: (0, 0)),
        ],
        out_specs=pl.BlockSpec((_BLK_T, _NUM_EXPERTS), lambda i: (i, 0)),
        out_shape=jax.ShapeDtypeStruct((tokens, _NUM_EXPERTS), jnp.float32),
    )(x, W1, b1, W2, b2)

    tk = jnp.asarray(top_k)
    flag = ((tk > 0) & (tk < _NUM_EXPERTS)).astype(jnp.float32)
    flag_v = jnp.full((_L,), 1.0, jnp.float32) * flag

    rows_per_w = tokens // (_NC * _NS)
    routing = functools.partial(
        pl.kernel,
        out_type=jax.ShapeDtypeStruct((tokens, _NUM_EXPERTS), jnp.float32),
        mesh=plsc.VectorSubcoreMesh(core_axis_name="c", subcore_axis_name="s"),
        compiler_params=pltpu.CompilerParams(needs_layout_passes=False),
        scratch_types=[
            pltpu.VMEM((rows_per_w, _NUM_EXPERTS), jnp.float32),
            pltpu.VMEM((_L,), jnp.float32),
        ],
    )(_routing_kernel)
    return routing(e, flag_v)

# --- scband reference (transcript-rebuilt; emitter-appended) ---
"""Pipeline reference for scband-hive-mind-19542101197094 (READ-ONLY COPY).

The authoritative reference and input builder live on the scoring server;
editing this copy changes nothing except your own understanding.
"""

import jax, jax.numpy as jnp
import numpy as np

INPUT_DIM = 2048
NUM_EXPERTS = 64
HIDDEN_DIM = 64
TOKENS = 16384

TOP_K_STATIC = 8  # constant value always passed by setup_inputs (not seed-derived)


def setup_inputs(seed: int = 0) -> dict:
    key = jax.random.key(seed)
    k1, k2, k3, k4, k5 = jax.random.split(key, 5)
    x = jax.random.normal(k1, (TOKENS, INPUT_DIM), dtype=jnp.float32)
    # Learned parameters of GatingNetwork.net (Linear -> ReLU -> Dropout(eval) -> Linear)
    W1 = jax.random.normal(k2, (INPUT_DIM, HIDDEN_DIM), dtype=jnp.float32) * (1.0 / np.sqrt(INPUT_DIM))
    b1 = jax.random.normal(k3, (HIDDEN_DIM,), dtype=jnp.float32) * 0.01
    W2 = jax.random.normal(k4, (HIDDEN_DIM, NUM_EXPERTS), dtype=jnp.float32) * (1.0 / np.sqrt(HIDDEN_DIM))
    b2 = jax.random.normal(k5, (NUM_EXPERTS,), dtype=jnp.float32) * 0.01
    return {"x": x, "W1": W1, "b1": b1, "W2": W2, "b2": b2, "top_k": 8}


def reference(x, W1, b1, W2, b2, top_k):
    # net: Linear -> ReLU -> Dropout(p=0.05, eval mode = identity) -> Linear
    h = jnp.maximum(x @ W1 + b1, 0.0)
    logits = h @ W2 + b2
    # eval mode: no noise injection
    weights = jax.nn.softmax(logits, axis=-1)
    use_topk = (top_k > 0) & (top_k < NUM_EXPERTS)
    topk_vals, topk_idx = jax.lax.top_k(weights, TOP_K_STATIC)
    B = weights.shape[0]
    rows = jnp.arange(B)[:, None]
    sparse = jnp.zeros_like(weights).at[rows, topk_idx].set(topk_vals)
    sparse = sparse / (jnp.sum(sparse, axis=-1, keepdims=True) + 1e-08)
    # straight-through estimator: forward value is sparse, grads flow via weights
    sparse_weights = weights + jax.lax.stop_gradient(sparse - weights)
    weights = jnp.where(use_topk, sparse_weights, weights)
    return weights

if __name__ == "__main__":
    import jax
    _d = setup_inputs()
    print(jax.jit(kernel)(*tuple(_d.values())))

</pallas_src>

<mosaic_0001>
#map = affine_map<(d0, d1) -> (0, 0)>
#map1 = affine_map<(d0, d1) -> (0)>
module attributes {stable_mosaic.version = 14 : i64} {
  func.func @_routing_kernel(%arg0: i32, %arg1: i32, %arg2: memref<16384x64xf32, #tpu.memory_space<hbm>>, %arg3: memref<16xf32, #tpu.memory_space<hbm>>, %arg4: memref<16384x64xf32, #tpu.memory_space<hbm>>, %arg5: memref<512x64xf32, #tpu.memory_space<vmem>>, %arg6: memref<16xf32, #tpu.memory_space<vmem>>) attributes {dimension_semantics = [#tpu.dimension_semantics<core_parallel>, #tpu.dimension_semantics<subcore_parallel>], iteration_bounds = array<i64: 2, 16>, scalar_prefetch = 0 : i64, scratch_operands = 2 : i64, tpu.core_type = #tpu.core_type<sc_vector_subcore>, window_params = [{transform_indices = #map}, {transform_indices = #map1}, {transform_indices = #map}]} {
    %mul3A = arith.constant 2 : i32
    %mul3A_0 = arith.muli %arg1, %mul3A : i32
    %add3A = arith.addi %mul3A_0, %arg0 : i32
    %mul3A_1 = arith.constant 512 : i32
    %mul3A_2 = arith.muli %add3A, %mul3A_1 : i32
    "tpu.region"() ({
      %run_scoped3A = tpu.sem_alloc : memref<!tpu.dma_semaphore, #tpu.memory_space<semaphore_mem>>
      %dma_start3A = arith.constant 0 : i32
      %dma_start3A_12 = tpu.memref_slice %arg2[%mul3A_2, %dma_start3A] : memref<16384x64xf32, #tpu.memory_space<hbm>> -> memref<512x64xf32, #tpu.memory_space<hbm>>
      %dma_start3A_13 = arith.constant 0 : i32
      %dma_start3A_14 = tpu.memref_slice %arg2[%mul3A_2, %dma_start3A_13] : memref<16384x64xf32, #tpu.memory_space<hbm>> -> memref<512x64xf32, #tpu.memory_space<hbm>>
      tpu.enqueue_dma source(%dma_start3A_14 : memref<512x64xf32, #tpu.memory_space<hbm>>) target(%arg5 : memref<512x64xf32, #tpu.memory_space<vmem>>) target_semaphore(%run_scoped3A : memref<!tpu.dma_semaphore, #tpu.memory_space<semaphore_mem>>)
      %dma_wait3A = arith.constant 0 : i32
      %dma_wait3A_15 = tpu.memref_slice %arg2[%mul3A_2, %dma_wait3A] : memref<16384x64xf32, #tpu.memory_space<hbm>> -> memref<512x64xf32, #tpu.memory_space<hbm>>
      %dma_wait3A_16 = arith.constant 0 : i32
      %dma_wait3A_17 = tpu.memref_slice %arg2[%mul3A_2, %dma_wait3A_16] : memref<16384x64xf32, #tpu.memory_space<hbm>> -> memref<512x64xf32, #tpu.memory_space<hbm>>
      tpu.wait_dma2 semaphore(%run_scoped3A : memref<!tpu.dma_semaphore, #tpu.memory_space<semaphore_mem>>) src(%dma_wait3A_17 : memref<512x64xf32, #tpu.memory_space<hbm>>) dst(%arg5 : memref<512x64xf32, #tpu.memory_space<vmem>>)
      tpu.yield
    }) : () -> ()
    "tpu.region"() ({
      %run_scoped3A = tpu.sem_alloc : memref<!tpu.dma_semaphore, #tpu.memory_space<semaphore_mem>>
      tpu.enqueue_dma source(%arg3 : memref<16xf32, #tpu.memory_space<hbm>>) target(%arg6 : memref<16xf32, #tpu.memory_space<vmem>>) target_semaphore(%run_scoped3A : memref<!tpu.dma_semaphore, #tpu.memory_space<semaphore_mem>>)
      tpu.wait_dma2 semaphore(%run_scoped3A : memref<!tpu.dma_semaphore, #tpu.memory_space<semaphore_mem>>) src(%arg3 : memref<16xf32, #tpu.memory_space<hbm>>) dst(%arg6 : memref<16xf32, #tpu.memory_space<vmem>>)
      tpu.yield
    }) : () -> ()
    %get3A = arith.constant 0 : index
    %get3A_3 = tpu.vector_load %arg6[%get3A] {strides = array<i32>} : memref<16xf32, #tpu.memory_space<vmem>>, vector<16xf32>,
    %ne3A = arith.constant 0.000000e+00 : f32
    %ne3A_4 = vector.broadcast %ne3A : f32 to vector<16xf32>
    %ne3A_5 = arith.cmpf one, %get3A_3, %ne3A_4 : vector<16xf32>
    %iota3A = tpu.iota {dimensions = array<i32: 0>} : vector<16xi32>
    %scan3A = arith.constant 0 : i32
    %scan3A_6 = arith.constant 0 : i32
    %scan3A_7 = arith.constant 512 : i32
    %scan3A_8 = arith.addi %scan3A_6, %scan3A_7 : i32
    %scan3A_9 = arith.constant 1 : i32
    %scan3A_10 = scf.for %scan3A_12 = %scan3A_6 to %scan3A_8 step %scan3A_9 iter_args(%scan3A_13 = %scan3A) -> (i32)  : i32 {
      %get3A_14 = arith.index_cast %scan3A_12 : i32 to index
      %get3A_15 = arith.constant 0 : index
      %get3A_16 = tpu.vector_load %arg5[%get3A_14, %get3A_15] {strides = array<i32>} : memref<512x64xf32, #tpu.memory_space<vmem>>, vector<16xf32>,
      %get3A_17 = arith.index_cast %scan3A_12 : i32 to index
      %get3A_18 = arith.constant 16 : index
      %get3A_19 = tpu.vector_load %arg5[%get3A_17, %get3A_18] {strides = array<i32>} : memref<512x64xf32, #tpu.memory_space<vmem>>, vector<16xf32>,
      %get3A_20 = arith.index_cast %scan3A_12 : i32 to index
      %get3A_21 = arith.constant 32 : index
      %get3A_22 = tpu.vector_load %arg5[%get3A_20, %get3A_21] {strides = array<i32>} : memref<512x64xf32, #tpu.memory_space<vmem>>, vector<16xf32>,
      %get3A_23 = arith.index_cast %scan3A_12 : i32 to index
      %get3A_24 = arith.constant 48 : index
      %get3A_25 = tpu.vector_load %arg5[%get3A_23, %get3A_24] {strides = array<i32>} : memref<512x64xf32, #tpu.memory_space<vmem>>, vector<16xf32>,
      %add3A_26 = arith.addf %get3A_16, %get3A_19 : vector<16xf32>
      %add3A_27 = arith.addf %add3A_26, %get3A_22 : vector<16xf32>
      %add3A_28 = arith.addf %add3A_27, %get3A_25 : vector<16xf32>
      %reduce_sum3A = arith.constant true
      %reduce_sum3A_29 = vector.broadcast %reduce_sum3A : i1 to vector<16xi1>
      %reduce_sum3A_30 = tpu.scan <sum>, %add3A_28 masked %reduce_sum3A_29 : vector<16xf32>, vector<16xi1> -> vector<16xf32>
      %reduce_sum3A_31 = vector.extract %reduce_sum3A_30[15] : f32 from vector<16xf32>
      %bitcast_convert_type3A = tpu.bitcast %get3A_16 : vector<16xf32> -> vector<16xi32>
      %and3A = arith.constant -64 : i32
      %and3A_32 = vector.broadcast %and3A : i32 to vector<16xi32>
      %and3A_33 = arith.andi %bitcast_convert_type3A, %and3A_32 : vector<16xi32>
      %sub3A = arith.constant 63 : i32
      %sub3A_34 = vector.broadcast %sub3A : i32 to vector<16xi32>
      %sub3A_35 = arith.subi %sub3A_34, %iota3A : vector<16xi32>
      %or3A = arith.ori %and3A_33, %sub3A_35 : vector<16xi32>
      %bitcast_convert_type3A_36 = tpu.bitcast %get3A_19 : vector<16xf32> -> vector<16xi32>
      %and3A_37 = arith.constant -64 : i32
      %and3A_38 = vector.broadcast %and3A_37 : i32 to vector<16xi32>
      %and3A_39 = arith.andi %bitcast_convert_type3A_36, %and3A_38 : vector<16xi32>
      %sub3A_40 = arith.constant 47 : i32
      %sub3A_41 = vector.broadcast %sub3A_40 : i32 to vector<16xi32>
      %sub3A_42 = arith.subi %sub3A_41, %iota3A : vector<16xi32>
      %or3A_43 = arith.ori %and3A_39, %sub3A_42 : vector<16xi32>
      %bitcast_convert_type3A_44 = tpu.bitcast %get3A_22 : vector<16xf32> -> vector<16xi32>
      %and3A_45 = arith.constant -64 : i32
      %and3A_46 = vector.broadcast %and3A_45 : i32 to vector<16xi32>
      %and3A_47 = arith.andi %bitcast_convert_type3A_44, %and3A_46 : vector<16xi32>
      %sub3A_48 = arith.constant 31 : i32
      %sub3A_49 = vector.broadcast %sub3A_48 : i32 to vector<16xi32>
      %sub3A_50 = arith.subi %sub3A_49, %iota3A : vector<16xi32>
      %or3A_51 = arith.ori %and3A_47, %sub3A_50 : vector<16xi32>
      %bitcast_convert_type3A_52 = tpu.bitcast %get3A_25 : vector<16xf32> -> vector<16xi32>
      %and3A_53 = arith.constant -64 : i32
      %and3A_54 = vector.broadcast %and3A_53 : i32 to vector<16xi32>
      %and3A_55 = arith.andi %bitcast_convert_type3A_52, %and3A_54 : vector<16xi32>
      %sub3A_56 = arith.constant 15 : i32
      %sub3A_57 = vector.broadcast %sub3A_56 : i32 to vector<16xi32>
      %sub3A_58 = arith.subi %sub3A_57, %iota3A : vector<16xi32>
      %or3A_59 = arith.ori %and3A_55, %sub3A_58 : vector<16xi32>
      %max3A = arith.maxsi %or3A, %or3A_43 : vector<16xi32>
      %max3A_60 = arith.maxsi %or3A_51, %or3A_59 : vector<16xi32>
      %max3A_61 = arith.maxsi %max3A, %max3A_60 : vector<16xi32>
      %reduce_max3A = arith.constant true
      %reduce_max3A_62 = vector.broadcast %reduce_max3A : i1 to vector<16xi1>
      %reduce_max3A_63 = arith.constant -2147483648 : i32
      %reduce_max3A_64 = vector.broadcast %reduce_max3A_63 : i32 to vector<16xi32>
      %reduce_max3A_65 = arith.xori %max3A_61, %reduce_max3A_64 : vector<16xi32>
      %reduce_max3A_66 = tpu.scan <max>, %reduce_max3A_65 masked %reduce_max3A_62 : vector<16xi32>, vector<16xi1> -> vector<16xi32>
      %reduce_max3A_67 = arith.xori %reduce_max3A_66, %reduce_max3A_64 : vector<16xi32>
      %reduce_max3A_68 = vector.extract %reduce_max3A_67[15] : i32 from vector<16xi32>
      %eq3A = vector.broadcast %reduce_max3A_68 : i32 to vector<16xi32>
      %eq3A_69 = arith.cmpi eq, %or3A, %eq3A : vector<16xi32>
      %jit3A = arith.constant -1 : i32
      %broadcast_in_dim3A = vector.broadcast %jit3A : i32 to vector<16xi32>
      %select_n3A = arith.select %eq3A_69, %broadcast_in_dim3A, %or3A : vector<16xi1>, vector<16xi32>
      %eq3A_70 = vector.broadcast %reduce_max3A_68 : i32 to vector<16xi32>
      %eq3A_71 = arith.cmpi eq, %or3A_43, %eq3A_70 : vector<16xi32>
      %jit3A_72 = arith.constant -1 : i32
      %broadcast_in_dim3A_73 = vector.broadcast %jit3A_72 : i32 to vector<16xi32>
      %select_n3A_74 = arith.select %eq3A_71, %broadcast_in_dim3A_73, %or3A_43 : vector<16xi1>, vector<16xi32>
      %eq3A_75 = vector.broadcast %reduce_max3A_68 : i32 to vector<16xi32>
      %eq3A_76 = arith.cmpi eq, %or3A_51, %eq3A_75 : vector<16xi32>
      %jit3A_77 = arith.constant -1 : i32
      %broadcast_in_dim3A_78 = vector.broadcast %jit3A_77 : i32 to vector<16xi32>
      %select_n3A_79 = arith.select %eq3A_76, %broadcast_in_dim3A_78, %or3A_51 : vector<16xi1>, vector<16xi32>
      %eq3A_80 = vector.broadcast %reduce_max3A_68 : i32 to vector<16xi32>
      %eq3A_81 = arith.cmpi eq, %or3A_59, %eq3A_80 : vector<16xi32>
      %jit3A_82 = arith.constant -1 : i32
      %broadcast_in_dim3A_83 = vector.broadcast %jit3A_82 : i32 to vector<16xi32>
      %select_n3A_84 = arith.select %eq3A_81, %broadcast_in_dim3A_83, %or3A_59 : vector<16xi1>, vector<16xi32>
      %max3A_85 = arith.maxsi %select_n3A, %select_n3A_74 : vector<16xi32>
      %max3A_86 = arith.maxsi %select_n3A_79, %select_n3A_84 : vector<16xi32>
      %max3A_87 = arith.maxsi %max3A_85, %max3A_86 : vector<16xi32>
      %reduce_max3A_88 = arith.constant true
      %reduce_max3A_89 = vector.broadcast %reduce_max3A_88 : i1 to vector<16xi1>
      %reduce_max3A_90 = arith.constant -2147483648 : i32
      %reduce_max3A_91 = vector.broadcast %reduce_max3A_90 : i32 to vector<16xi32>
      %reduce_max3A_92 = arith.xori %max3A_87, %reduce_max3A_91 : vector<16xi32>
      %reduce_max3A_93 = tpu.scan <max>, %reduce_max3A_92 masked %reduce_max3A_89 : vector<16xi32>, vector<16xi1> -> vector<16xi32>
      %reduce_max3A_94 = arith.xori %reduce_max3A_93, %reduce_max3A_91 : vector<16xi32>
      %reduce_max3A_95 = vector.extract %reduce_max3A_94[15] : i32 from vector<16xi32>
      %eq3A_96 = vector.broadcast %reduce_max3A_95 : i32 to vector<16xi32>
      %eq3A_97 = arith.cmpi eq, %select_n3A, %eq3A_96 : vector<16xi32>
      %jit3A_98 = arith.constant -1 : i32
      %broadcast_in_dim3A_99 = vector.broadcast %jit3A_98 : i32 to vector<16xi32>
      %select_n3A_100 = arith.select %eq3A_97, %broadcast_in_dim3A_99, %select_n3A : vector<16xi1>, vector<16xi32>
      %eq3A_101 = vector.broadcast %reduce_max3A_95 : i32 to vector<16xi32>
      %eq3A_102 = arith.cmpi eq, %select_n3A_74, %eq3A_101 : vector<16xi32>
      %jit3A_103 = arith.constant -1 : i32
      %broadcast_in_dim3A_104 = vector.broadcast %jit3A_103 : i32 to vector<16xi32>
      %select_n3A_105 = arith.select %eq3A_102, %broadcast_in_dim3A_104, %select_n3A_74 : vector<16xi1>, vector<16xi32>
      %eq3A_106 = vector.broadcast %reduce_max3A_95 : i32 to vector<16xi32>
      %eq3A_107 = arith.cmpi eq, %select_n3A_79, %eq3A_106 : vector<16xi32>
      %jit3A_108 = arith.constant -1 : i32
      %broadcast_in_dim3A_109 = vector.broadcast %jit3A_108 : i32 to vector<16xi32>
      %select_n3A_110 = arith.select %eq3A_107, %broadcast_in_dim3A_109, %select_n3A_79 : vector<16xi1>, vector<16xi32>
      %eq3A_111 = vector.broadcast %reduce_max3A_95 : i32 to vector<16xi32>
      %eq3A_112 = arith.cmpi eq, %select_n3A_84, %eq3A_111 : vector<16xi32>
      %jit3A_113 = arith.constant -1 : i32
      %broadcast_in_dim3A_114 = vector.broadcast %jit3A_113 : i32 to vector<16xi32>
      %select_n3A_115 = arith.select %eq3A_112, %broadcast_in_dim3A_114, %select_n3A_84 : vector<16xi1>, vector<16xi32>
      %max3A_116 = arith.maxsi %select_n3A_100, %select_n3A_105 : vector<16xi32>
      %max3A_117 = arith.maxsi %select_n3A_110, %select_n3A_115 : vector<16xi32>
      %max3A_118 = arith.maxsi %max3A_116, %max3A_117 : vector<16xi32>
      %reduce_max3A_119 = arith.constant true
      %reduce_max3A_120 = vector.broadcast %reduce_max3A_119 : i1 to vector<16xi1>
      %reduce_max3A_121 = arith.constant -2147483648 : i32
      %reduce_max3A_122 = vector.broadcast %reduce_max3A_121 : i32 to vector<16xi32>
      %reduce_max3A_123 = arith.xori %max3A_118, %reduce_max3A_122 : vector<16xi32>
      %reduce_max3A_124 = tpu.scan <max>, %reduce_max3A_123 masked %reduce_max3A_120 : vector<16xi32>, vector<16xi1> -> vector<16xi32>
      %reduce_max3A_125 = arith.xori %reduce_max3A_124, %reduce_max3A_122 : vector<16xi32>
      %reduce_max3A_126 = vector.extract %reduce_max3A_125[15] : i32 from vector<16xi32>
      %eq3A_127 = vector.broadcast %reduce_max3A_126 : i32 to vector<16xi32>
      %eq3A_128 = arith.cmpi eq, %select_n3A_100, %eq3A_127 : vector<16xi32>
      %jit3A_129 = arith.constant -1 : i32
      %broadcast_in_dim3A_130 = vector.broadcast %jit3A_129 : i32 to vector<16xi32>
      %select_n3A_131 = arith.select %eq3A_128, %broadcast_in_dim3A_130, %select_n3A_100 : vector<16xi1>, vector<16xi32>
      %eq3A_132 = vector.broadcast %reduce_max3A_126 : i32 to vector<16xi32>
      %eq3A_133 = arith.cmpi eq, %select_n3A_105, %eq3A_132 : vector<16xi32>
      %jit3A_134 = arith.constant -1 : i32
      %broadcast_in_dim3A_135 = vector.broadcast %jit3A_134 : i32 to vector<16xi32>
      %select_n3A_136 = arith.select %eq3A_133, %broadcast_in_dim3A_135, %select_n3A_105 : vector<16xi1>, vector<16xi32>
      %eq3A_137 = vector.broadcast %reduce_max3A_126 : i32 to vector<16xi32>
      %eq3A_138 = arith.cmpi eq, %select_n3A_110, %eq3A_137 : vector<16xi32>
      %jit3A_139 = arith.constant -1 : i32
      %broadcast_in_dim3A_140 = vector.broadcast %jit3A_139 : i32 to vector<16xi32>
      %select_n3A_141 = arith.select %eq3A_138, %broadcast_in_dim3A_140, %select_n3A_110 : vector<16xi1>, vector<16xi32>
      %eq3A_142 = vector.broadcast %reduce_max3A_126 : i32 to vector<16xi32>
      %eq3A_143 = arith.cmpi eq, %select_n3A_115, %eq3A_142 : vector<16xi32>
      %jit3A_144 = arith.constant -1 : i32
      %broadcast_in_dim3A_145 = vector.broadcast %jit3A_144 : i32 to vector<16xi32>
      %select_n3A_146 = arith.select %eq3A_143, %broadcast_in_dim3A_145, %select_n3A_115 : vector<16xi1>, vector<16xi32>
      %max3A_147 = arith.maxsi %select_n3A_131, %select_n3A_136 : vector<16xi32>
      %max3A_148 = arith.maxsi %select_n3A_141, %select_n3A_146 : vector<16xi32>
      %max3A_149 = arith.maxsi %max3A_147, %max3A_148 : vector<16xi32>
      %reduce_max3A_150 = arith.constant true
      %reduce_max3A_151 = vector.broadcast %reduce_max3A_150 : i1 to vector<16xi1>
      %reduce_max3A_152 = arith.constant -2147483648 : i32
      %reduce_max3A_153 = vector.broadcast %reduce_max3A_152 : i32 to vector<16xi32>
      %reduce_max3A_154 = arith.xori %max3A_149, %reduce_max3A_153 : vector<16xi32>
      %reduce_max3A_155 = tpu.scan <max>, %reduce_max3A_154 masked %reduce_max3A_151 : vector<16xi32>, vector<16xi1> -> vector<16xi32>
      %reduce_max3A_156 = arith.xori %reduce_max3A_155, %reduce_max3A_153 : vector<16xi32>
      %reduce_max3A_157 = vector.extract %reduce_max3A_156[15] : i32 from vector<16xi32>
      %eq3A_158 = vector.broadcast %reduce_max3A_157 : i32 to vector<16xi32>
      %eq3A_159 = arith.cmpi eq, %select_n3A_131, %eq3A_158 : vector<16xi32>
      %jit3A_160 = arith.constant -1 : i32
      %broadcast_in_dim3A_161 = vector.broadcast %jit3A_160 : i32 to vector<16xi32>
      %select_n3A_162 = arith.select %eq3A_159, %broadcast_in_dim3A_161, %select_n3A_131 : vector<16xi1>, vector<16xi32>
      %eq3A_163 = vector.broadcast %reduce_max3A_157 : i32 to vector<16xi32>
      %eq3A_164 = arith.cmpi eq, %select_n3A_136, %eq3A_163 : vector<16xi32>
      %jit3A_165 = arith.constant -1 : i32
      %broadcast_in_dim3A_166 = vector.broadcast %jit3A_165 : i32 to vector<16xi32>
      %select_n3A_167 = arith.select %eq3A_164, %broadcast_in_dim3A_166, %select_n3A_136 : vector<16xi1>, vector<16xi32>
      %eq3A_168 = vector.broadcast %reduce_max3A_157 : i32 to vector<16xi32>
      %eq3A_169 = arith.cmpi eq, %select_n3A_141, %eq3A_168 : vector<16xi32>
      %jit3A_170 = arith.constant -1 : i32
      %broadcast_in_dim3A_171 = vector.broadcast %jit3A_170 : i32 to vector<16xi32>
      %select_n3A_172 = arith.select %eq3A_169, %broadcast_in_dim3A_171, %select_n3A_141 : vector<16xi1>, vector<16xi32>
      %eq3A_173 = vector.broadcast %reduce_max3A_157 : i32 to vector<16xi32>
      %eq3A_174 = arith.cmpi eq, %select_n3A_146, %eq3A_173 : vector<16xi32>
      %jit3A_175 = arith.constant -1 : i32
      %broadcast_in_dim3A_176 = vector.broadcast %jit3A_175 : i32 to vector<16xi32>
      %select_n3A_177 = arith.select %eq3A_174, %broadcast_in_dim3A_176, %select_n3A_146 : vector<16xi1>, vector<16xi32>
      %max3A_178 = arith.maxsi %select_n3A_162, %select_n3A_167 : vector<16xi32>
      %max3A_179 = arith.maxsi %select_n3A_172, %select_n3A_177 : vector<16xi32>
      %max3A_180 = arith.maxsi %max3A_178, %max3A_179 : vector<16xi32>
      %reduce_max3A_181 = arith.constant true
      %reduce_max3A_182 = vector.broadcast %reduce_max3A_181 : i1 to vector<16xi1>
      %reduce_max3A_183 = arith.constant -2147483648 : i32
      %reduce_max3A_184 = vector.broadcast %reduce_max3A_183 : i32 to vector<16xi32>
      %reduce_max3A_185 = arith.xori %max3A_180, %reduce_max3A_184 : vector<16xi32>
      %reduce_max3A_186 = tpu.scan <max>, %reduce_max3A_185 masked %reduce_max3A_182 : vector<16xi32>, vector<16xi1> -> vector<16xi32>
      %reduce_max3A_187 = arith.xori %reduce_max3A_186, %reduce_max3A_184 : vector<16xi32>
      %reduce_max3A_188 = vector.extract %reduce_max3A_187[15] : i32 from vector<16xi32>
      %eq3A_189 = vector.broadcast %reduce_max3A_188 : i32 to vector<16xi32>
      %eq3A_190 = arith.cmpi eq, %select_n3A_162, %eq3A_189 : vector<16xi32>
      %jit3A_191 = arith.constant -1 : i32
      %broadcast_in_dim3A_192 = vector.broadcast %jit3A_191 : i32 to vector<16xi32>
      %select_n3A_193 = arith.select %eq3A_190, %broadcast_in_dim3A_192, %select_n3A_162 : vector<16xi1>, vector<16xi32>
      %eq3A_194 = vector.broadcast %reduce_max3A_188 : i32 to vector<16xi32>
      %eq3A_195 = arith.cmpi eq, %select_n3A_167, %eq3A_194 : vector<16xi32>
      %jit3A_196 = arith.constant -1 : i32
      %broadcast_in_dim3A_197 = vector.broadcast %jit3A_196 : i32 to vector<16xi32>
      %select_n3A_198 = arith.select %eq3A_195, %broadcast_in_dim3A_197, %select_n3A_167 : vector<16xi1>, vector<16xi32>
      %eq3A_199 = vector.broadcast %reduce_max3A_188 : i32 to vector<16xi32>
      %eq3A_200 = arith.cmpi eq, %select_n3A_172, %eq3A_199 : vector<16xi32>
      %jit3A_201 = arith.constant -1 : i32
      %broadcast_in_dim3A_202 = vector.broadcast %jit3A_201 : i32 to vector<16xi32>
      %select_n3A_203 = arith.select %eq3A_200, %broadcast_in_dim3A_202, %select_n3A_172 : vector<16xi1>, vector<16xi32>
      %eq3A_204 = vector.broadcast %reduce_max3A_188 : i32 to vector<16xi32>
      %eq3A_205 = arith.cmpi eq, %select_n3A_177, %eq3A_204 : vector<16xi32>
      %jit3A_206 = arith.constant -1 : i32
      %broadcast_in_dim3A_207 = vector.broadcast %jit3A_206 : i32 to vector<16xi32>
      %select_n3A_208 = arith.select %eq3A_205, %broadcast_in_dim3A_207, %select_n3A_177 : vector<16xi1>, vector<16xi32>
      %max3A_209 = arith.maxsi %select_n3A_193, %select_n3A_198 : vector<16xi32>
      %max3A_210 = arith.maxsi %select_n3A_203, %select_n3A_208 : vector<16xi32>
      %max3A_211 = arith.maxsi %max3A_209, %max3A_210 : vector<16xi32>
      %reduce_max3A_212 = arith.constant true
      %reduce_max3A_213 = vector.broadcast %reduce_max3A_212 : i1 to vector<16xi1>
      %reduce_max3A_214 = arith.constant -2147483648 : i32
      %reduce_max3A_215 = vector.broadcast %reduce_max3A_214 : i32 to vector<16xi32>
      %reduce_max3A_216 = arith.xori %max3A_211, %reduce_max3A_215 : vector<16xi32>
      %reduce_max3A_217 = tpu.scan <max>, %reduce_max3A_216 masked %reduce_max3A_213 : vector<16xi32>, vector<16xi1> -> vector<16xi32>
      %reduce_max3A_218 = arith.xori %reduce_max3A_217, %reduce_max3A_215 : vector<16xi32>
      %reduce_max3A_219 = vector.extract %reduce_max3A_218[15] : i32 from vector<16xi32>
      %eq3A_220 = vector.broadcast %reduce_max3A_219 : i32 to vector<16xi32>
      %eq3A_221 = arith.cmpi eq, %select_n3A_193, %eq3A_220 : vector<16xi32>
      %jit3A_222 = arith.constant -1 : i32
      %broadcast_in_dim3A_223 = vector.broadcast %jit3A_222 : i32 to vector<16xi32>
      %select_n3A_224 = arith.select %eq3A_221, %broadcast_in_dim3A_223, %select_n3A_193 : vector<16xi1>, vector<16xi32>
      %eq3A_225 = vector.broadcast %reduce_max3A_219 : i32 to vector<16xi32>
      %eq3A_226 = arith.cmpi eq, %select_n3A_198, %eq3A_225 : vector<16xi32>
      %jit3A_227 = arith.constant -1 : i32
      %broadcast_in_dim3A_228 = vector.broadcast %jit3A_227 : i32 to vector<16xi32>
      %select_n3A_229 = arith.select %eq3A_226, %broadcast_in_dim3A_228, %select_n3A_198 : vector<16xi1>, vector<16xi32>
      %eq3A_230 = vector.broadcast %reduce_max3A_219 : i32 to vector<16xi32>
      %eq3A_231 = arith.cmpi eq, %select_n3A_203, %eq3A_230 : vector<16xi32>
      %jit3A_232 = arith.constant -1 : i32
      %broadcast_in_dim3A_233 = vector.broadcast %jit3A_232 : i32 to vector<16xi32>
      %select_n3A_234 = arith.select %eq3A_231, %broadcast_in_dim3A_233, %select_n3A_203 : vector<16xi1>, vector<16xi32>
      %eq3A_235 = vector.broadcast %reduce_max3A_219 : i32 to vector<16xi32>
      %eq3A_236 = arith.cmpi eq, %select_n3A_208, %eq3A_235 : vector<16xi32>
      %jit3A_237 = arith.constant -1 : i32
      %broadcast_in_dim3A_238 = vector.broadcast %jit3A_237 : i32 to vector<16xi32>
      %select_n3A_239 = arith.select %eq3A_236, %broadcast_in_dim3A_238, %select_n3A_208 : vector<16xi1>, vector<16xi32>
      %max3A_240 = arith.maxsi %select_n3A_224, %select_n3A_229 : vector<16xi32>
      %max3A_241 = arith.maxsi %select_n3A_234, %select_n3A_239 : vector<16xi32>
      %max3A_242 = arith.maxsi %max3A_240, %max3A_241 : vector<16xi32>
      %reduce_max3A_243 = arith.constant true
      %reduce_max3A_244 = vector.broadcast %reduce_max3A_243 : i1 to vector<16xi1>
      %reduce_max3A_245 = arith.constant -2147483648 : i32
      %reduce_max3A_246 = vector.broadcast %reduce_max3A_245 : i32 to vector<16xi32>
      %reduce_max3A_247 = arith.xori %max3A_242, %reduce_max3A_246 : vector<16xi32>
      %reduce_max3A_248 = tpu.scan <max>, %reduce_max3A_247 masked %reduce_max3A_244 : vector<16xi32>, vector<16xi1> -> vector<16xi32>
      %reduce_max3A_249 = arith.xori %reduce_max3A_248, %reduce_max3A_246 : vector<16xi32>
      %reduce_max3A_250 = vector.extract %reduce_max3A_249[15] : i32 from vector<16xi32>
      %eq3A_251 = vector.broadcast %reduce_max3A_250 : i32 to vector<16xi32>
      %eq3A_252 = arith.cmpi eq, %select_n3A_224, %eq3A_251 : vector<16xi32>
      %jit3A_253 = arith.constant -1 : i32
      %broadcast_in_dim3A_254 = vector.broadcast %jit3A_253 : i32 to vector<16xi32>
      %select_n3A_255 = arith.select %eq3A_252, %broadcast_in_dim3A_254, %select_n3A_224 : vector<16xi1>, vector<16xi32>
      %eq3A_256 = vector.broadcast %reduce_max3A_250 : i32 to vector<16xi32>
      %eq3A_257 = arith.cmpi eq, %select_n3A_229, %eq3A_256 : vector<16xi32>
      %jit3A_258 = arith.constant -1 : i32
      %broadcast_in_dim3A_259 = vector.broadcast %jit3A_258 : i32 to vector<16xi32>
      %select_n3A_260 = arith.select %eq3A_257, %broadcast_in_dim3A_259, %select_n3A_229 : vector<16xi1>, vector<16xi32>
      %eq3A_261 = vector.broadcast %reduce_max3A_250 : i32 to vector<16xi32>
      %eq3A_262 = arith.cmpi eq, %select_n3A_234, %eq3A_261 : vector<16xi32>
      %jit3A_263 = arith.constant -1 : i32
      %broadcast_in_dim3A_264 = vector.broadcast %jit3A_263 : i32 to vector<16xi32>
      %select_n3A_265 = arith.select %eq3A_262, %broadcast_in_dim3A_264, %select_n3A_234 : vector<16xi1>, vector<16xi32>
      %eq3A_266 = vector.broadcast %reduce_max3A_250 : i32 to vector<16xi32>
      %eq3A_267 = arith.cmpi eq, %select_n3A_239, %eq3A_266 : vector<16xi32>
      %jit3A_268 = arith.constant -1 : i32
      %broadcast_in_dim3A_269 = vector.broadcast %jit3A_268 : i32 to vector<16xi32>
      %select_n3A_270 = arith.select %eq3A_267, %broadcast_in_dim3A_269, %select_n3A_239 : vector<16xi1>, vector<16xi32>
      %max3A_271 = arith.maxsi %select_n3A_255, %select_n3A_260 : vector<16xi32>
      %max3A_272 = arith.maxsi %select_n3A_265, %select_n3A_270 : vector<16xi32>
      %max3A_273 = arith.maxsi %max3A_271, %max3A_272 : vector<16xi32>
      %reduce_max3A_274 = arith.constant true
      %reduce_max3A_275 = vector.broadcast %reduce_max3A_274 : i1 to vector<16xi1>
      %reduce_max3A_276 = arith.constant -2147483648 : i32
      %reduce_max3A_277 = vector.broadcast %reduce_max3A_276 : i32 to vector<16xi32>
      %reduce_max3A_278 = arith.xori %max3A_273, %reduce_max3A_277 : vector<16xi32>
      %reduce_max3A_279 = tpu.scan <max>, %reduce_max3A_278 masked %reduce_max3A_275 : vector<16xi32>, vector<16xi1> -> vector<16xi32>
      %reduce_max3A_280 = arith.xori %reduce_max3A_279, %reduce_max3A_277 : vector<16xi32>
      %reduce_max3A_281 = vector.extract %reduce_max3A_280[15] : i32 from vector<16xi32>
      %eq3A_282 = vector.broadcast %reduce_max3A_281 : i32 to vector<16xi32>
      %eq3A_283 = arith.cmpi eq, %select_n3A_255, %eq3A_282 : vector<16xi32>
      %jit3A_284 = arith.constant -1 : i32
      %broadcast_in_dim3A_285 = vector.broadcast %jit3A_284 : i32 to vector<16xi32>
      %select_n3A_286 = arith.select %eq3A_283, %broadcast_in_dim3A_285, %select_n3A_255 : vector<16xi1>, vector<16xi32>
      %eq3A_287 = vector.broadcast %reduce_max3A_281 : i32 to vector<16xi32>
      %eq3A_288 = arith.cmpi eq, %select_n3A_260, %eq3A_287 : vector<16xi32>
      %jit3A_289 = arith.constant -1 : i32
      %broadcast_in_dim3A_290 = vector.broadcast %jit3A_289 : i32 to vector<16xi32>
      %select_n3A_291 = arith.select %eq3A_288, %broadcast_in_dim3A_290, %select_n3A_260 : vector<16xi1>, vector<16xi32>
      %eq3A_292 = vector.broadcast %reduce_max3A_281 : i32 to vector<16xi32>
      %eq3A_293 = arith.cmpi eq, %select_n3A_265, %eq3A_292 : vector<16xi32>
      %jit3A_294 = arith.constant -1 : i32
      %broadcast_in_dim3A_295 = vector.broadcast %jit3A_294 : i32 to vector<16xi32>
      %select_n3A_296 = arith.select %eq3A_293, %broadcast_in_dim3A_295, %select_n3A_265 : vector<16xi1>, vector<16xi32>
      %eq3A_297 = vector.broadcast %reduce_max3A_281 : i32 to vector<16xi32>
      %eq3A_298 = arith.cmpi eq, %select_n3A_270, %eq3A_297 : vector<16xi32>
      %jit3A_299 = arith.constant -1 : i32
      %broadcast_in_dim3A_300 = vector.broadcast %jit3A_299 : i32 to vector<16xi32>
      %select_n3A_301 = arith.select %eq3A_298, %broadcast_in_dim3A_300, %select_n3A_270 : vector<16xi1>, vector<16xi32>
      %lt3A = arith.constant 0 : i32
      %lt3A_302 = vector.broadcast %lt3A : i32 to vector<16xi32>
      %lt3A_303 = arith.cmpi slt, %select_n3A_286, %lt3A_302 : vector<16xi32>
      %not3A = arith.constant dense<true> : vector<16xi1>
      %not3A_304 = arith.xori %ne3A_5, %not3A : vector<16xi1>
      %or3A_305 = arith.ori %lt3A_303, %not3A_304 : vector<16xi1>
      %jit3A_306 = arith.constant 0.000000e+00 : f32
      %broadcast_in_dim3A_307 = vector.broadcast %jit3A_306 : f32 to vector<16xf32>
      %select_n3A_308 = arith.select %or3A_305, %get3A_16, %broadcast_in_dim3A_307 : vector<16xi1>, vector<16xf32>
      %lt3A_309 = arith.constant 0 : i32
      %lt3A_310 = vector.broadcast %lt3A_309 : i32 to vector<16xi32>
      %lt3A_311 = arith.cmpi slt, %select_n3A_291, %lt3A_310 : vector<16xi32>
      %not3A_312 = arith.constant dense<true> : vector<16xi1>
      %not3A_313 = arith.xori %ne3A_5, %not3A_312 : vector<16xi1>
      %or3A_314 = arith.ori %lt3A_311, %not3A_313 : vector<16xi1>
      %jit3A_315 = arith.constant 0.000000e+00 : f32
      %broadcast_in_dim3A_316 = vector.broadcast %jit3A_315 : f32 to vector<16xf32>
      %select_n3A_317 = arith.select %or3A_314, %get3A_19, %broadcast_in_dim3A_316 : vector<16xi1>, vector<16xf32>
      %lt3A_318 = arith.constant 0 : i32
      %lt3A_319 = vector.broadcast %lt3A_318 : i32 to vector<16xi32>
      %lt3A_320 = arith.cmpi slt, %select_n3A_296, %lt3A_319 : vector<16xi32>
      %not3A_321 = arith.constant dense<true> : vector<16xi1>
      %not3A_322 = arith.xori %ne3A_5, %not3A_321 : vector<16xi1>
      %or3A_323 = arith.ori %lt3A_320, %not3A_322 : vector<16xi1>
      %jit3A_324 = arith.constant 0.000000e+00 : f32
      %broadcast_in_dim3A_325 = vector.broadcast %jit3A_324 : f32 to vector<16xf32>
      %select_n3A_326 = arith.select %or3A_323, %get3A_22, %broadcast_in_dim3A_325 : vector<16xi1>, vector<16xf32>
      %lt3A_327 = arith.constant 0 : i32
      %lt3A_328 = vector.broadcast %lt3A_327 : i32 to vector<16xi32>
      %lt3A_329 = arith.cmpi slt, %select_n3A_301, %lt3A_328 : vector<16xi32>
      %not3A_330 = arith.constant dense<true> : vector<16xi1>
      %not3A_331 = arith.xori %ne3A_5, %not3A_330 : vector<16xi1>
      %or3A_332 = arith.ori %lt3A_329, %not3A_331 : vector<16xi1>
      %jit3A_333 = arith.constant 0.000000e+00 : f32
      %broadcast_in_dim3A_334 = vector.broadcast %jit3A_333 : f32 to vector<16xf32>
      %select_n3A_335 = arith.select %or3A_332, %get3A_25, %broadcast_in_dim3A_334 : vector<16xi1>, vector<16xf32>
      %add3A_336 = arith.addf %select_n3A_308, %select_n3A_317 : vector<16xf32>
      %add3A_337 = arith.addf %add3A_336, %select_n3A_326 : vector<16xf32>
      %add3A_338 = arith.addf %add3A_337, %select_n3A_335 : vector<16xf32>
      %reduce_sum3A_339 = arith.constant true
      %reduce_sum3A_340 = vector.broadcast %reduce_sum3A_339 : i1 to vector<16xi1>
      %reduce_sum3A_341 = tpu.scan <sum>, %add3A_338 masked %reduce_sum3A_340 : vector<16xf32>, vector<16xi1> -> vector<16xf32>
      %reduce_sum3A_342 = vector.extract %reduce_sum3A_341[15] : f32 from vector<16xf32>
      %broadcast_in_dim3A_343 = vector.broadcast %reduce_sum3A_31 : f32 to vector<16xf32>
      %broadcast_in_dim3A_344 = vector.broadcast %reduce_sum3A_342 : f32 to vector<16xf32>
      %mul3A_345 = arith.constant 9.99999993E-9 : f32
      %mul3A_346 = vector.broadcast %mul3A_345 : f32 to vector<16xf32>
      %mul3A_347 = arith.mulf %mul3A_346, %broadcast_in_dim3A_343 : vector<16xf32>
      %add3A_348 = arith.addf %broadcast_in_dim3A_344, %mul3A_347 : vector<16xf32>
      %select_n3A_349 = arith.select %ne3A_5, %add3A_348, %broadcast_in_dim3A_343 : vector<16xi1>, vector<16xf32>
      %div3A = arith.divf %select_n3A_308, %select_n3A_349 : vector<16xf32>
      %swap3A = arith.index_cast %scan3A_12 : i32 to index
      %swap3A_350 = arith.constant 0 : index
      %swap3A_351 = tpu.vector_load %arg5[%swap3A, %swap3A_350] {strides = array<i32>} : memref<512x64xf32, #tpu.memory_space<vmem>>, vector<16xf32>,
      tpu.vector_store %arg5[%swap3A, %swap3A_350], %div3A {strides = array<i32>} : memref<512x64xf32, #tpu.memory_space<vmem>>, vector<16xf32>,
      %div3A_352 = arith.divf %select_n3A_317, %select_n3A_349 : vector<16xf32>
      %swap3A_353 = arith.index_cast %scan3A_12 : i32 to index
      %swap3A_354 = arith.constant 16 : index
      %swap3A_355 = tpu.vector_load %arg5[%swap3A_353, %swap3A_354] {strides = array<i32>} : memref<512x64xf32, #tpu.memory_space<vmem>>, vector<16xf32>,
      tpu.vector_store %arg5[%swap3A_353, %swap3A_354], %div3A_352 {strides = array<i32>} : memref<512x64xf32, #tpu.memory_space<vmem>>, vector<16xf32>,
      %div3A_356 = arith.divf %select_n3A_326, %select_n3A_349 : vector<16xf32>
      %swap3A_357 = arith.index_cast %scan3A_12 : i32 to index
      %swap3A_358 = arith.constant 32 : index
      %swap3A_359 = tpu.vector_load %arg5[%swap3A_357, %swap3A_358] {strides = array<i32>} : memref<512x64xf32, #tpu.memory_space<vmem>>, vector<16xf32>,
      tpu.vector_store %arg5[%swap3A_357, %swap3A_358], %div3A_356 {strides = array<i32>} : memref<512x64xf32, #tpu.memory_space<vmem>>, vector<16xf32>,
      %div3A_360 = arith.divf %select_n3A_335, %select_n3A_349 : vector<16xf32>
      %swap3A_361 = arith.index_cast %scan3A_12 : i32 to index
      %swap3A_362 = arith.constant 48 : index
      %swap3A_363 = tpu.vector_load %arg5[%swap3A_361, %swap3A_362] {strides = array<i32>} : memref<512x64xf32, #tpu.memory_space<vmem>>, vector<16xf32>,
      tpu.vector_store %arg5[%swap3A_361, %swap3A_362], %div3A_360 {strides = array<i32>} : memref<512x64xf32, #tpu.memory_space<vmem>>, vector<16xf32>,
      %scan3A_364 = arith.constant 0 : i32
      scf.yield %scan3A_364 : i32
    }
    %scan3A_11 = arith.constant 512 : i32
    "tpu.region"() ({
      %run_scoped3A = tpu.sem_alloc : memref<!tpu.dma_semaphore, #tpu.memory_space<semaphore_mem>>
      %dma_start3A = arith.constant 0 : i32
      %dma_start3A_12 = tpu.memref_slice %arg4[%mul3A_2, %dma_start3A] : memref<16384x64xf32, #tpu.memory_space<hbm>> -> memref<512x64xf32, #tpu.memory_space<hbm>>
      %dma_start3A_13 = arith.constant 0 : i32
      %dma_start3A_14 = tpu.memref_slice %arg4[%mul3A_2, %dma_start3A_13] : memref<16384x64xf32, #tpu.memory_space<hbm>> -> memref<512x64xf32, #tpu.memory_space<hbm>>
      tpu.enqueue_dma source(%arg5 : memref<512x64xf32, #tpu.memory_space<vmem>>) target(%dma_start3A_14 : memref<512x64xf32, #tpu.memory_space<hbm>>) target_semaphore(%run_scoped3A : memref<!tpu.dma_semaphore, #tpu.memory_space<semaphore_mem>>)
      %dma_wait3A = arith.constant 0 : i32
      %dma_wait3A_15 = tpu.memref_slice %arg4[%mul3A_2, %dma_wait3A] : memref<16384x64xf32, #tpu.memory_space<hbm>> -> memref<512x64xf32, #tpu.memory_space<hbm>>
      %dma_wait3A_16 = arith.constant 0 : i32
      %dma_wait3A_17 = tpu.memref_slice %arg4[%mul3A_2, %dma_wait3A_16] : memref<16384x64xf32, #tpu.memory_space<hbm>> -> memref<512x64xf32, #tpu.memory_space<hbm>>
      tpu.wait_dma2 semaphore(%run_scoped3A : memref<!tpu.dma_semaphore, #tpu.memory_space<semaphore_mem>>) src(%arg5 : memref<512x64xf32, #tpu.memory_space<vmem>>) dst(%dma_wait3A_17 : memref<512x64xf32, #tpu.memory_space<hbm>>)
      tpu.yield
    }) : () -> ()
    return
  }
}

module attributes {stable_mosaic.version = 14 : i64} {
  func.func @_mlp_kernel(%arg0: i32, %arg1: memref<1024x2048xf32, #tpu.memory_space<vmem>>, %arg2: memref<2048x64xf32, #tpu.memory_space<vmem>>, %arg3: memref<1x64xf32, #tpu.memory_space<vmem>>, %arg4: memref<64x64xf32, #tpu.memory_space<vmem>>, %arg5: memref<1x64xf32, #tpu.memory_space<vmem>>, %arg6: memref<1024x64xf32, #tpu.memory_space<vmem>>) attributes {dimension_semantics = [#tpu.dimension_semantics<arbitrary>], iteration_bounds = array<i64: 16>, scalar_prefetch = 0 : i64, scratch_operands = 0 : i64, tpu.core_type = #tpu.core_type<tc>, window_params = [{transform_indices = @transform_0, window_bounds = array<i64: 1024, 2048>}, {pipeline_mode = #tpu.pipeline_mode<synchronous>, transform_indices = @transform_1, window_bounds = array<i64: 2048, 64>}, {pipeline_mode = #tpu.pipeline_mode<synchronous>, transform_indices = @transform_2, window_bounds = array<i64: 1, 64>}, {pipeline_mode = #tpu.pipeline_mode<synchronous>, transform_indices = @transform_3, window_bounds = array<i64: 64, 64>}, {pipeline_mode = #tpu.pipeline_mode<synchronous>, transform_indices = @transform_4, window_bounds = array<i64: 1, 64>}, {transform_indices = @transform_5, window_bounds = array<i64: 1024, 64>}]} {
    %get3A = arith.constant 0 : index
    %get3A_0 = arith.constant 0 : index
    %get3A_1 = vector.load %arg1[%get3A, %get3A_0] : memref<1024x2048xf32, #tpu.memory_space<vmem>>, vector<1024x2048xf32>
    %get3A_2 = arith.constant 0 : index
    %get3A_3 = arith.constant 0 : index
    %get3A_4 = vector.load %arg2[%get3A_2, %get3A_3] : memref<2048x64xf32, #tpu.memory_space<vmem>>, vector<2048x64xf32>
    %dot_general3A = arith.constant dense<0.000000e+00> : vector<1024x64xf32>
    %dot_general3A_5 = tpu.matmul %get3A_1, %get3A_4, %dot_general3A {dimension_numbers = #tpu.dot_dimension_numbers<[1], [0], [0], [1], [0, 0, 1, 1], [], []>, transpose_lhs_hint = false} : vector<1024x2048xf32>, vector<2048x64xf32>, vector<1024x64xf32> -> vector<1024x64xf32>
    %get3A_6 = arith.constant 0 : index
    %get3A_7 = arith.constant 0 : index
    %get3A_8 = vector.load %arg3[%get3A_6, %get3A_7] : memref<1x64xf32, #tpu.memory_space<vmem>>, vector<1x64xf32>
    %add3A = vector.broadcast %get3A_8 : vector<1x64xf32> to vector<1024x64xf32>
    %add3A_9 = arith.addf %dot_general3A_5, %add3A : vector<1024x64xf32>
    %max3A = arith.constant 0.000000e+00 : f32
    %max3A_10 = vector.broadcast %max3A : f32 to vector<1024x64xf32>
    %max3A_11 = arith.maximumf %add3A_9, %max3A_10 : vector<1024x64xf32>
    %get3A_12 = arith.constant 0 : index
    %get3A_13 = arith.constant 0 : index
    %get3A_14 = vector.load %arg4[%get3A_12, %get3A_13] : memref<64x64xf32, #tpu.memory_space<vmem>>, vector<64x64xf32>
    %dot_general3A_15 = arith.constant dense<0.000000e+00> : vector<1024x64xf32>
    %dot_general3A_16 = tpu.matmul %max3A_11, %get3A_14, %dot_general3A_15 {dimension_numbers = #tpu.dot_dimension_numbers<[1], [0], [0], [1], [0, 0, 1, 1], [], []>, transpose_lhs_hint = false} : vector<1024x64xf32>, vector<64x64xf32>, vector<1024x64xf32> -> vector<1024x64xf32>
    %get3A_17 = arith.constant 0 : index
    %get3A_18 = arith.constant 0 : index
    %get3A_19 = vector.load %arg5[%get3A_17, %get3A_18] : memref<1x64xf32, #tpu.memory_space<vmem>>, vector<1x64xf32>
    %add3A_20 = vector.broadcast %get3A_19 : vector<1x64xf32> to vector<1024x64xf32>
    %add3A_21 = arith.addf %dot_general3A_16, %add3A_20 : vector<1024x64xf32>
    %exp3A = math.exp %add3A_21 : vector<1024x64xf32>
    %swap3A = arith.constant 0 : index
    %swap3A_22 = arith.constant 0 : index
    %swap3A_23 = vector.load %arg6[%swap3A, %swap3A_22] : memref<1024x64xf32, #tpu.memory_space<vmem>>, vector<1024x64xf32>
    tpu.vector_store %arg6[%swap3A, %swap3A_22], %exp3A {strides = array<i32>} : memref<1024x64xf32, #tpu.memory_space<vmem>>, vector<1024x64xf32>,
    return
  }
  func.func @transform_0(%arg0: i32) -> (i32, i32) {
    %c0_i32 = arith.constant 0 : i32
    %c0_i32_0 = arith.constant 0 : i32
    return %arg0, %c0_i32 : i32, i32
  }
  func.func @transform_1(%arg0: i32) -> (i32, i32) {
    %c0_i32 = arith.constant 0 : i32
    %c0_i32_0 = arith.constant 0 : i32
    %c0_i32_1 = arith.constant 0 : i32
    return %c0_i32, %c0_i32_0 : i32, i32
  }
  func.func @transform_2(%arg0: i32) -> (i32, i32) {
    %c0_i32 = arith.constant 0 : i32
    %c0_i32_0 = arith.constant 0 : i32
    %c0_i32_1 = arith.constant 0 : i32
    return %c0_i32, %c0_i32_0 : i32, i32
  }
  func.func @transform_3(%arg0: i32) -> (i32, i32) {
    %c0_i32 = arith.constant 0 : i32
    %c0_i32_0 = arith.constant 0 : i32
    %c0_i32_1 = arith.constant 0 : i32
    return %c0_i32, %c0_i32_0 : i32, i32
  }
  func.func @transform_4(%arg0: i32) -> (i32, i32) {
    %c0_i32 = arith.constant 0 : i32
    %c0_i32_0 = arith.constant 0 : i32
    %c0_i32_1 = arith.constant 0 : i32
    return %c0_i32, %c0_i32_0 : i32, i32
  }
  func.func @transform_5(%arg0: i32) -> (i32, i32) {
    %c0_i32 = arith.constant 0 : i32
    %c0_i32_0 = arith.constant 0 : i32
    return %arg0, %c0_i32 : i32, i32
  }
}

</mosaic_0001>

<sc_bundles>
// kernel: kernel.4.cloned.1.call-start
scs
__scs_entry_jumppad:
0x0: {  	(pc) =	sbr.rel $0x88, $3  }
0x1: {  	(tag) =	ssettag $0x0;
	lr =	simm.s32 $0x1  }
0x2: {  	[smem:$0x3F9B] =	sst lr;
	_ =	strace $0xD0000000  }
0x3: {  	_ = 	snop  }
0x4: {  	_ = 	snop  }
0x5: {  	_ = 	snop  }
0x6: {  	_ = 	snop  }
0x7: {  	_ = 	snop  }
__scs_overlays_trampoline_lowered:
0x8: {  	[smem:$0x3FAA] =	sst s0  }
0x9: {  	[smem:$0x3FAB] =	sst s1  }
0xa: {  	[smem:$0x3FAC] =	sst s2  }
0xb: {  	[smem:$0x3FAD] =	sst s3  }
0xc: {  	[smem:$0x3FAE] =	sst s4  }
0xd: {  	[smem:$0x3FAF] =	sst s5  }
0xe: {  	[smem:$0x3FB0] =	sst s6  }
0xf: {  	[smem:$0x3FB1] =	sst s7  }
0x10: {  	[smem:$0x3FB2] =	sst s8  }
0x11: {  	[smem:$0x3FB3] =	sst s9;
	s0 =	simm.s32 @!p0 $0x0  }
0x12: {  	s1 =	sld [smem:$0x3F99];
	s0 =	simm.s32 @p0 $0x1  }
0x13: {  	[smem:$0x3FB4] =	sst s0;
	s0 =	simm.s32 @!p1 $0x0  }
0x14: {  	s2 =	sld [smem:$0x3F98];
	s0 =	simm.s32 @p1 $0x1  }
0x15: {  	[smem:$0x3FB5] =	sst s0;
	s0 =	simm.s32 @!p2 $0x0  }
0x16: {  	s3 =	sld [smem:$0x3FDB];
	s0 =	simm.s32 @p2 $0x1  }
0x17: {  	s4 =	simm.s32 $0x1BF5;
	[smem:$0x3FB7] =	sst s0  }
0x18: {  	s0 =	sld [smem:$0x3F9A];
	_ =	swait.ge [sflag:s4], $0x0  }
0x19: {  	s7 =	sld [smem:$0x3F9B]  }
0x1a: {  	s8 =	sadd.s32 $0xFFFFE003, lr  }
0x1b: {  	s9 =	sadd.s32 $0xFFFFFEF7, lr;
	s5 =	simm.s32 $0xFFFFFFFF;
	p2 =	slt.u32 s8, $0xFFFFF086  }
0x1c: {  	p1 =	slt.u32 s9, $0xF7A;
	s5 =	simm.s32 @!p2 $0x0  }
0x1d: {  	s5 =	simm.s32 @p1 $0x1;
	p0 =	seq.s32 s7, s2  }
0x1e: {  	s7 =	smul.u32 @!p0 $0xF7A, s2;
	p2 =	seq.s32 @!p0 s5, $0x0  }
0x1f: {  	s9 =	smul.u32 $0xF7A, s1;
	s8 =	simm.s32 @!p0 $0x1BF5;
	p2 =	por !p2, p0  }
0x20: {  	[sflag:s8] =	ssyncset.s32 @!p0 $0xFFFFF086;
	s6 =	sadd.s32 @!p0 s3, s7;
	s7 =	simm.s32 @!p0 $0x108  }
0x21: {  	s3 =	sadd.s32 s3, s9;
	s6 =	sadd.s32 @!p0 $0x88, s6;
	s7 =	simm.s32 @p2 $0x1082  }
0x22: {  	[simem:s7], [sflag:s8] =	dma.local @!p0 [hbm:s6], $0xF7A  }
0x23: {  	s9 =	sor.u32 $0xD0000000, s2;
	s6 =	simm.s32 $0x108;
	_ =	swait.ge @!p0 [sflag:s8], $0x0  }
0x24: {  	s3 =	sadd.s32 $0x88, s3;
	s6 =	simm.s32 @!p1 $0x1082;
	[sflag:s4] =	ssyncset.s32 $0xFFFFF086  }
0x25: {  	[simem:s6], [sflag:s4] =	dma.local [hbm:s3], $0xF7A  }
0x26: {  	[smem:$0x3F9B] =	sst s1;
	(tag) =	ssettag s2;
	_ =	strace s9  }
0x27: {  	s1 =	sld [smem:$0x3FAB]  }
0x28: {  	s2 =	sld [smem:$0x3FAC]  }
0x29: {  	s4 =	sld [smem:$0x3FAE]  }
0x2a: {  	p0 =	seq.s32 s5, $0x0;
	s5 =	sld [smem:$0x3FAF]  }
0x2b: {  	s6 =	sld [smem:$0x3FB0]  }
0x2c: {  	s7 =	sld [smem:$0x3FB1]  }
0x2d: {  	s3 =	simm.s32 $0x108;
	s8 =	sld [smem:$0x3FB2]  }
0x2e: {  	s3 =	simm.s32 @!p0 $0x1082;
	s9 =	sld [smem:$0x3FB3]  }
0x2f: {  	lr =	sadd.s32 s0, s3;
	s0 =	sld [smem:$0x3FAA]  }
0x30: {  	s3 =	sld [smem:$0x3FAD]  }
0x31: {  	[smem:$0x3FB6] =	sst s10  }
0x32: {  	s10 =	sld [smem:$0x3FB4];
	_ =	sdelay $0x3  }
0x33: {  	p0 =	seq.s32 s10, $0x1;
	s10 =	sld [smem:$0x3FB6];
	_ =	sdelay $0x3  }
0x34: {  	[smem:$0x3FB6] =	sst s10  }
0x35: {  	s10 =	sld [smem:$0x3FB5];
	_ =	sdelay $0x3  }
0x36: {  	p1 =	seq.s32 s10, $0x1;
	s10 =	sld [smem:$0x3FB6];
	_ =	sdelay $0x3  }
0x37: {  	[smem:$0x3FB6] =	sst s10  }
0x38: {  	s10 =	sld [smem:$0x3FB7]  }
0x39: {  	_ = 	snop;
	(pc) =	sbr.ind lr, $3  }
0x3a: {  	_ = 	snop  }
0x3b: {  	_ = 	snop  }
0x3c: {  	p2 =	seq.s32 s10, $0x1;
	s10 =	sld [smem:$0x3FB6]  }
0x3d: {  	_ =	shalt  }
0x3e: {  	_ =	shalt  }
0x3f: {  	_ =	shalt  }
0x40: {  	_ =	shalt  }
0x41: {  	_ =	shalt  }
0x42: {  	_ =	shalt  }
0x43: {  	_ =	shalt  }
0x44: {  	_ =	shalt  }
0x45: {  	_ =	shalt  }
0x46: {  	_ =	shalt  }
0x47: {  	_ =	shalt  }
0x48: {  	_ =	shalt  }
0x49: {  	_ =	shalt  }
0x4a: {  	_ =	shalt  }
0x4b: {  	_ =	shalt  }
0x4c: {  	_ =	shalt  }
0x4d: {  	_ =	shalt  }
0x4e: {  	_ =	shalt  }
0x4f: {  	_ =	shalt  }
0x50: {  	_ =	shalt  }
0x51: {  	_ =	shalt  }
0x52: {  	_ =	shalt  }
0x53: {  	_ =	shalt  }
0x54: {  	_ =	shalt  }
0x55: {  	_ =	shalt  }
0x56: {  	_ =	shalt  }
0x57: {  	_ =	shalt  }
0x58: {  	_ =	shalt  }
0x59: {  	_ =	shalt  }
0x5a: {  	_ =	shalt  }
0x5b: {  	_ =	shalt  }
0x5c: {  	_ =	shalt  }
0x5d: {  	_ =	shalt  }
0x5e: {  	_ =	shalt  }
0x5f: {  	_ =	shalt  }
0x60: {  	_ =	shalt  }
0x61: {  	_ =	shalt  }
0x62: {  	_ =	shalt  }
0x63: {  	_ =	shalt  }
0x64: {  	_ =	shalt  }
0x65: {  	_ =	shalt  }
0x66: {  	_ =	shalt  }
0x67: {  	_ =	shalt  }
0x68: {  	_ =	shalt  }
0x69: {  	_ =	shalt  }
0x6a: {  	_ =	shalt  }
0x6b: {  	_ =	shalt  }
0x6c: {  	_ =	shalt  }
0x6d: {  	_ =	shalt  }
0x6e: {  	_ =	shalt  }
0x6f: {  	_ =	shalt  }
0x70: {  	_ =	shalt  }
0x71: {  	_ =	shalt  }
0x72: {  	_ =	shalt  }
0x73: {  	_ =	shalt  }
0x74: {  	_ =	shalt  }
0x75: {  	_ =	shalt  }
0x76: {  	_ =	shalt  }
0x77: {  	_ =	shalt  }
0x78: {  	_ =	shalt  }
0x79: {  	_ =	shalt  }
0x7a: {  	_ =	shalt  }
0x7b: {  	_ =	shalt  }
0x7c: {  	_ =	shalt  }
0x7d: {  	_ =	shalt  }
0x7e: {  	_ =	shalt  }
0x7f: {  	_ =	shalt  }
0x80: {  	_ =	shalt  }
0x81: {  	_ =	shalt  }
0x82: {  	_ =	shalt  }
0x83: {  	_ =	shalt  }
0x84: {  	_ =	shalt  }
0x85: {  	_ =	shalt  }
0x86: {  	_ =	shalt  }
0x87: {  	_ =	shalt  }
.Lfunc_end0:
.L_simem_size_0:
called_computation_lowered:
.L_overlay_start_0:
0x88: {  	s2 =	sld [smem:$0x3FD9]  }
0x89: {  	s3 =	sld [smem:$0x3FFE];
	_ =	sdelay $0x1  }
0x8a: {  	s1 =	srdreg.scid  }
0x8b: {  	s0 =	sand.u32 $0x1, s1  }
0x8c: {  	s17 =	sshll.u32 s0, $0xA;
	s2 =	sadd.s32 s3, s2  }
0x8d: {  	s2 =	sadd.s32 s2, s17  }
0x8e: {  	[smem:$0x3FC2] =	sst s2  }
0x8f: {  	_ = 	snop  }
0x90: {  	s2 =	sld [smem:$0x3FD0];
	(tm) =	ssettm $0x1  }
0x91: {  	s18 =	sld [smem:$0x3FFB];
	_ =	sdelay $0x3  }
0x92: {  	_ =	strace s18  }
0x93: {  	s3 =	sld [smem:$0x3FFC];
	_ =	sdelay $0x3  }
0x94: {  	_ =	strace s3  }
0x95: {  	s3 =	sld [smem:$0x3FFD];
	_ =	sdelay $0x3  }
0x96: {  	_ =	strace s3  }
0x97: {  	_ =	strace $0x8FFFFFFF  }
0x98: {  	s19 =	sld [smem:$0x3FDB];
	_ =	sdelay $0x1  }
0x99: {  	s4 =	simm.s32 $_scs_section_size  }
0x9a: {  	s5 =	simm.s32 $_size__tile_overlayer_lowered;
	s6 =	simm.s32 $_tile_overlayer_lowered  }
0x9b: {  	s22 =	simm.s32 $0x1BFF;
	s21 =	sshll.u32 s6, $0x1;
	s3 =	sadd.s32 s4, s19  }
0x9c: {  	s7 =	simm.s32 $0x0;
	s20 =	sshll.u32 s5, $0x1;
	s5 =	sadd.s32 s21, s3  }
0x9d: {  	[timem:s7], [sflag:s22] =	dma.local [hbm:s5], s20  }
0x9e: {  	_ =	swait.ge [sflag:s22], s20  }
0x9f: {  	s4 =	ssub.s32 $0x0, s20;
	[sflag:s22] =	ssyncset.done $0x0  }
0xa0: {  	[sflag:s22] =	ssyncadd.s32 s4;
	_ =	sdelay $0x1  }
0xa1: {  	s23 =	simm.s32 $0x1B8B  }
0xa2: {  	_ =	swait.ge [sflag:s23], $0x1  }
0xa3: {  	[sflag:s23] =	ssyncset.done $0x0  }
0xa4: {  	s25 =	simm.s32 $0x1B8E;
	s24 =	sld [smem:$0x3FFE];
	[sflag:s23] =	ssyncadd.s32 $0xFFFFFFFF  }
0xa5: {  	s26 =	simm.s32 $execute0_lowered;
	[smem:$0x3FD2] =	sst s25  }
0xa6: {  	s5 =	sshll.u32 s26, $0x1;
	_ =	strace $0x80000046;
	[dreg:$0x1] =	wrdreg $0xFFFFFFFF  }
0xa7: {  	s28 =	simm.s32 $_size_execute0_lowered;
	s3 =	sadd.s32 s3, s5;
	[dreg:$0x0] =	wrdreg $0x0  }
0xa8: {  	s5 =	sshll.u32 s28, $0x1;
	[dreg:$0x2] =	wrdreg s3  }
0xa9: {  	[dreg:$0x3] =	wrdreg s5  }
0xaa: {  	[dreg:$0x4] =	wrdreg $0xC0  }
0xab: {  	_ =	task [dreg:s7], $0x5FFFF  }
0xac: {  	[dreg:$0x1] =	wrdreg $0xFFFFFFFF  }
0xad: {  	[dreg:$0x0] =	wrdreg $0x60  }
0xae: {  	[dreg:$0x2] =	wrdreg s24  }
0xaf: {  	[dreg:$0x3] =	wrdreg s2  }
0xb0: {  	[dreg:$0x4] =	wrdreg $0x9  }
0xb1: {  	_ =	task.clear_ibuf [dreg:s7], $0x5FFFF;
	_ =	strace $0x90000046  }
0xb2: {  	s29 =	simm.s32 $0x9;
	_ =	strace $0x80000048  }
0xb3: {  	_ =	swait.ge [sflag:s29], $0x1  }
0xb4: {  	[sflag:s29] =	ssyncadd.s32 $0xFFFFFFFF  }
0xb5: {  	_ =	strace $0x90000048  }
0xb6: {  	_ =	sfence  }
0xb7: {  	s30 =	sld [smem:$0x0];
	_ =	sdelay $0x2  }
0xb8: {  	s31 =	sshll.u32 s1, $0xD;
	s1 =	sshrl.u32 s1, $0x2  }
0xb9: {  	s3 =	sand.u32 $0x4000, s31;
	s1 =	sadd.s32 s1, s30  }
0xba: {  	s0 =	sor.u32 s3, s0;
	s1 =	sshll.u32 s1, $0x11  }
0xbb: {  	s0 =	sor.u32 s1, s0  }
0xbc: {  	s0 =	sadd.s32 $0x8F2B, s0  }
0xbd: {  	[sflag:s0] =	ssyncadd.remote.s32 $0x1  }
0xbe: {  	_ =	sfence.sel $0xFFFF  }
0xbf: {  	[dreg:$0x0] =	wrdreg $0xFFFFFFFF;
	(pc) =	sbr.abs _section_cstart, $3  }
0xc0: {  	[dreg:$0x1] =	wrdreg $0xFFFFFFFF  }
0xc1: {  	_ =	task.clear_ibuf [dreg:s7], $0x2FFFF;
	_ =	strace $0x9FFFFFFF  }
0xc2: {  	(tm) =	ssettm $0x7FFFFFFF  }
0xc3: {  	_ =	shalt  }
tec
execute0_lowered:
.L_overlay_start_1:
0x0: {  	(tag) =	ssettag $0x1  }
0x1: {  	s4 =	rddreg [dreg:$0x0]  }
0x2: {  	s2 =	rddreg [dreg:$0x1]  }
0x3: {  	s0 =	rddreg [dreg:$0x2];
	s5 =	srdreg.scid  }
0x4: {  	s3 =	simm.s32 $0x0;
	s1 =	stileid.u32;
	s5 =	sand.u32 $0x1, s5  }
0x5: {  	v0 =	vlaneseq.u32;
	s8 =	simm.s32 $0x10000;
	s6 =	sshll.u32 s1, $0xE;
	s7 =	sshll.u32 s5, $0xD  }
0x6: {  	s9 =	simm.s32 $0x0;
	v3 =	vmul.u32 $0xFFFFFFFF, v0;
	s5 =	ssub.s32 $0x2, s5;
	s6 =	sor.u32 s7, s6  }
0x7: {  	[smem:$0x7FF] =	sst s3;
	s31 =	sshrl.u32 s5, $0x1;
	s6 =	sadd.s32 s6, s4  }
0x8: {  	_ =	strace $0x80000047;
	v0 =	vadd.s32 $0x3F, v3;
	s7 =	ssub.s32 s5, s31;
	s4 =	sadd.s32 $0xC00, s6  }
0x9: {  	v1 =	vadd.s32 $0x2F, v3;
	v2 =	vadd.s32 $0x1F, v3;
	v3 =	vadd.s32 $0xF, v3;
	s5 =	sadd.s32 $0x40C00, s6;
	s6 =	smax.u32 s7, $0x1;
	s7 =	simm.s32 $0x1  }
.LBB2_1:
0xa: {  	[tilespmem:s3], [sflag:$0x1] =	stream.linear.gather [hbm4b:s4+s3], $0x10000, $0x38;
	[tilespmem:$0x10080] =	vst v63  }
0xb: {  	_ =	swait.ge [sflag:s7], $0x10000  }
0xc: {  	[sflag:s7] =	ssyncset.done $0x0  }
0xd: {  	[sflag:s7] =	ssyncadd.s32 $0xFFFF0000  }
0xe: {  	[tilespmem:s8], [sflag:$0x1] =	stream.linear.gather [hbm4b:s2+s3], $0x80, $0x38;
	[tilespmem:$0x10080] =	vst v63  }
0xf: {  	_ =	swait.ge [sflag:s7], $0x80  }
0x10: {  	[sflag:s7] =	ssyncset.done $0x0  }
0x11: {  	s10 =	simm.s32 $0x0;
	[sflag:s7] =	ssyncadd.s32 $0xFFFFFF80  }
0x12: {  	v4 =	vld [tilespmem:s10+$0x30]  }
0x13: {  	v6 =	vld [tilespmem:s10+$0x10]  }
0x14: {  	v5 =	vld [tilespmem:s10+$0x20]  }
0x15: {  	v7 =	vld [tilespmem:s10+$0x0];
	_ =	sdelay $0x3  }
0x16: {  	v8 =	vand.u32 $0xFFFFFFC0, v4;
	v9 =	vand.u32 $0xFFFFFFC0, v6  }
0x17: {  	v10 =	vand.u32 $0xFFFFFFC0, v5;
	v11 =	vand.u32 $0xFFFFFFC0, v7;
	v8 =	vor.u32 v3, v8  }
0x18: {  	v9 =	vor.u32 v1, v9;
	v11 =	vor.u32 v0, v11;
	v10 =	vor.u32 v2, v10  }
0x19: {  	vm0 =	vgt.s32 v11, v9;
	vm1 =	vgt.s32 v10, v8  }
0x1a: {  	v12 =	vsel vm0, v11, v9;
	v13 =	vsel vm1, v10, v8  }
0x1b: {  	vm0 =	vgt.s32 v12, v13  }
0x1c: {  	v12 =	vsel vm0, v12, v13  }
0x1d: {  	v12 =	vxor.u32 $0x80000000, v12  }
0x1e: {  	(xrf0) =	vmax.scan.msk.u32 $0xffff, v12;
	_ =	sdelay $0x5  }
0x1f: {  	v12, _, _ =	vpop (xrf0)  }
0x20: {  	(v2sf) =	vpush v12, $0xF;
	_ =	sdelay $0xe  }
0x21: {  	s11 =	spop (v2sf)  }
0x22: {  	s11 =	sxor.u32 $0x80000000, s11  }
0x23: {  	vm0 =	veq.s32 v11, s11;
	vm1 =	veq.s32 v9, s11  }
0x24: {  	vm2 =	veq.s32 v10, s11;
	v11 =	vsel vm0, $0xFFFFFFFF, v11;
	vm0 =	veq.s32 v8, s11  }
0x25: {  	v9 =	vsel vm1, $0xFFFFFFFF, v9;
	v10 =	vsel vm2, $0xFFFFFFFF, v10;
	v8 =	vsel vm0, $0xFFFFFFFF, v8  }
0x26: {  	vm0 =	vgt.s32 v11, v9;
	vm1 =	vgt.s32 v10, v8  }
0x27: {  	v45 =	vsel vm0, v11, v9;
	v46 =	vsel vm1, v10, v8  }
0x28: {  	vm0 =	vgt.s32 v45, v46  }
0x29: {  	v12 =	vsel vm0, v45, v46  }
0x2a: {  	v12 =	vxor.u32 $0x80000000, v12  }
0x2b: {  	(xrf0) =	vmax.scan.msk.u32 $0xffff, v12;
	_ =	sdelay $0x5  }
0x2c: {  	v12, _, _ =	vpop (xrf0)  }
0x2d: {  	(v2sf) =	vpush v12, $0xF;
	_ =	sdelay $0xe  }
0x2e: {  	s24 =	spop (v2sf)  }
0x2f: {  	s11 =	sxor.u32 $0x80000000, s24  }
0x30: {  	vm0 =	veq.s32 v11, s11;
	vm1 =	veq.s32 v9, s11  }
0x31: {  	vm2 =	veq.s32 v10, s11;
	v11 =	vsel vm0, $0xFFFFFFFF, v11;
	vm0 =	veq.s32 v8, s11  }
0x32: {  	v9 =	vsel vm1, $0xFFFFFFFF, v9;
	v10 =	vsel vm2, $0xFFFFFFFF, v10;
	v8 =	vsel vm0, $0xFFFFFFFF, v8  }
0x33: {  	vm0 =	vgt.s32 v11, v9;
	vm1 =	vgt.s32 v10, v8  }
0x34: {  	v47 =	vsel vm0, v11, v9;
	v48 =	vsel vm1, v10, v8  }
0x35: {  	vm0 =	vgt.s32 v47, v48  }
0x36: {  	v12 =	vsel vm0, v47, v48  }
0x37: {  	v12 =	vxor.u32 $0x80000000, v12  }
0x38: {  	(xrf0) =	vmax.scan.msk.u32 $0xffff, v12;
	_ =	sdelay $0x5  }
0x39: {  	v12, _, _ =	vpop (xrf0)  }
0x3a: {  	(v2sf) =	vpush v12, $0xF;
	_ =	sdelay $0xe  }
0x3b: {  	s25 =	spop (v2sf)  }
0x3c: {  	s11 =	sxor.u32 $0x80000000, s25  }
0x3d: {  	vm0 =	veq.s32 v11, s11;
	vm1 =	veq.s32 v9, s11  }
0x3e: {  	vm2 =	veq.s32 v10, s11;
	v11 =	vsel vm0, $0xFFFFFFFF, v11;
	vm0 =	veq.s32 v8, s11  }
0x3f: {  	v9 =	vsel vm1, $0xFFFFFFFF, v9;
	v10 =	vsel vm2, $0xFFFFFFFF, v10;
	v8 =	vsel vm0, $0xFFFFFFFF, v8  }
0x40: {  	vm0 =	vgt.s32 v11, v9;
	vm1 =	vgt.s32 v10, v8  }
0x41: {  	v49 =	vsel vm0, v11, v9;
	v50 =	vsel vm1, v10, v8  }
0x42: {  	vm0 =	vgt.s32 v49, v50  }
0x43: {  	v12 =	vsel vm0, v49, v50  }
0x44: {  	v12 =	vxor.u32 $0x80000000, v12  }
0x45: {  	(xrf0) =	vmax.scan.msk.u32 $0xffff, v12;
	_ =	sdelay $0x5  }
0x46: {  	v12, _, _ =	vpop (xrf0)  }
0x47: {  	(v2sf) =	vpush v12, $0xF;
	_ =	sdelay $0xe  }
0x48: {  	s26 =	spop (v2sf)  }
0x49: {  	s11 =	sxor.u32 $0x80000000, s26  }
0x4a: {  	vm0 =	veq.s32 v11, s11;
	vm1 =	veq.s32 v9, s11  }
0x4b: {  	vm2 =	veq.s32 v10, s11;
	v11 =	vsel vm0, $0xFFFFFFFF, v11;
	vm0 =	veq.s32 v8, s11  }
0x4c: {  	v9 =	vsel vm1, $0xFFFFFFFF, v9;
	v10 =	vsel vm2, $0xFFFFFFFF, v10;
	v8 =	vsel vm0, $0xFFFFFFFF, v8  }
0x4d: {  	vm0 =	vgt.s32 v11, v9;
	vm1 =	vgt.s32 v10, v8  }
0x4e: {  	v51 =	vsel vm0, v11, v9;
	v52 =	vsel vm1, v10, v8  }
0x4f: {  	vm0 =	vgt.s32 v51, v52  }
0x50: {  	v12 =	vsel vm0, v51, v52  }
0x51: {  	v12 =	vxor.u32 $0x80000000, v12  }
0x52: {  	(xrf0) =	vmax.scan.msk.u32 $0xffff, v12;
	_ =	sdelay $0x5  }
0x53: {  	v12, _, _ =	vpop (xrf0)  }
0x54: {  	(v2sf) =	vpush v12, $0xF;
	_ =	sdelay $0xe  }
0x55: {  	s28 =	spop (v2sf)  }
0x56: {  	s11 =	sxor.u32 $0x80000000, s28  }
0x57: {  	vm0 =	veq.s32 v11, s11;
	vm1 =	veq.s32 v10, s11  }
0x58: {  	vm2 =	veq.s32 v9, s11;
	v10 =	vsel vm1, $0xFFFFFFFF, v10;
	vm1 =	veq.s32 v8, s11  }
0x59: {  	v11 =	vsel vm0, $0xFFFFFFFF, v11;
	v9 =	vsel vm2, $0xFFFFFFFF, v9;
	v8 =	vsel vm1, $0xFFFFFFFF, v8  }
0x5a: {  	vm0 =	vgt.s32 v11, v9;
	vm1 =	vgt.s32 v10, v8  }
0x5b: {  	v53 =	vsel vm0, v11, v9;
	v54 =	vsel vm1, v10, v8  }
0x5c: {  	vm0 =	vgt.s32 v53, v54  }
0x5d: {  	v12 =	vsel vm0, v53, v54  }
0x5e: {  	v12 =	vxor.u32 $0x80000000, v12  }
0x5f: {  	(xrf0) =	vmax.scan.msk.u32 $0xffff, v12;
	_ =	sdelay $0x5  }
0x60: {  	v12, _, _ =	vpop (xrf0)  }
0x61: {  	(v2sf) =	vpush v12, $0xF;
	_ =	sdelay $0xe  }
0x62: {  	s29 =	spop (v2sf)  }
0x63: {  	s11 =	sxor.u32 $0x80000000, s29  }
0x64: {  	vm0 =	veq.s32 v11, s11;
	vm1 =	veq.s32 v9, s11  }
0x65: {  	vm2 =	veq.s32 v10, s11;
	v11 =	vsel vm0, $0xFFFFFFFF, v11;
	vm0 =	veq.s32 v8, s11  }
0x66: {  	v9 =	vsel vm1, $0xFFFFFFFF, v9;
	v10 =	vsel vm2, $0xFFFFFFFF, v10;
	v8 =	vsel vm0, $0xFFFFFFFF, v8  }
0x67: {  	vm0 =	vgt.s32 v11, v9;
	vm1 =	vgt.s32 v10, v8  }
0x68: {  	v55 =	vsel vm0, v11, v9;
	v56 =	vsel vm1, v10, v8  }
0x69: {  	vm0 =	vgt.s32 v55, v56  }
0x6a: {  	v12 =	vsel vm0, v55, v56  }
0x6b: {  	v12 =	vxor.u32 $0x80000000, v12  }
0x6c: {  	(xrf0) =	vmax.scan.msk.u32 $0xffff, v12;
	_ =	sdelay $0x5  }
0x6d: {  	v12, _, _ =	vpop (xrf0)  }
0x6e: {  	(v2sf) =	vpush v12, $0xF;
	_ =	sdelay $0xe  }
0x6f: {  	s30 =	spop (v2sf)  }
0x70: {  	s11 =	sxor.u32 $0x80000000, s30  }
0x71: {  	vm0 =	veq.s32 v11, s11;
	vm1 =	veq.s32 v9, s11  }
0x72: {  	vm2 =	veq.s32 v10, s11;
	v11 =	vsel vm0, $0xFFFFFFFF, v11;
	vm0 =	veq.s32 v8, s11  }
0x73: {  	v9 =	vsel vm1, $0xFFFFFFFF, v9;
	v10 =	vsel vm2, $0xFFFFFFFF, v10;
	v8 =	vsel vm0, $0xFFFFFFFF, v8  }
0x74: {  	vm0 =	vgt.s32 v11, v9;
	vm1 =	vgt.s32 v10, v8  }
0x75: {  	v57 =	vsel vm0, v11, v9;
	v58 =	vsel vm1, v10, v8  }
0x76: {  	vm0 =	vgt.s32 v57, v58  }
0x77: {  	v12 =	vsel vm0, v57, v58  }
0x78: {  	v12 =	vxor.u32 $0x80000000, v12  }
0x79: {  	(xrf0) =	vmax.scan.msk.u32 $0xffff, v12;
	_ =	sdelay $0x5  }
0x7a: {  	v12, _, _ =	vpop (xrf0)  }
0x7b: {  	(v2sf) =	vpush v12, $0xF;
	_ =	sdelay $0x9  }
0x7c: {  	v59 =	vld [tilespmem:$0x10000];
	_ =	sdelay $0x3  }
0x7d: {  	v60 =	vadd.f32 v6, v7;
	vm2 =	vlt.s32 v11, $0x0  }
0x7e: {  	vm3 =	vlt.s32 v9, $0x0;
	vm1 =	vgt.f32 v59, $0.0e+00;
	vm0 =	vlt.f32 v59, $0.0e+00;
	s31 =	spop (v2sf)  }
0x7f: {  	vm6 =	vlt.s32 v10, $0x0;
	vm0 =	vmor vm1, vm0;
	vm1 =	vlt.s32 v8, $0x0;
	s11 =	sxor.u32 $0x80000000, s31  }
0x80: {  	vm0 =	vmneg vm0;
	vm4 =	veq.s32 v11, s11;
	vm5 =	veq.s32 v9, s11  }
0x81: {  	v12 =	vadd.f32 v5, v60;
	vm2 =	vmor vm2, vm4;
	vm3 =	vmor vm3, vm5  }
0x82: {  	vm15 =	veq.s32 v10, s11;
	vm2 =	vmor vm0, vm2;
	vm3 =	vmor vm0, vm3  }
0x83: {  	vm4 =	vmor vm6, vm15;
	v7 =	vnsel vm2, $0x0, v7;
	v6 =	vnsel vm3, $0x0, v6  }
0x84: {  	vm2 =	vmor vm0, vm4;
	vm3 =	veq.s32 v8, s11;
	v8 =	vadd.f32 v6, v7  }
0x85: {  	vm1 =	vmor vm1, vm3;
	v5 =	vnsel vm2, $0x0, v5  }
0x86: {  	v61 =	vadd.f32 v4, v12;
	vm1 =	vmor vm0, vm1;
	v8 =	vadd.f32 v8, v5  }
0x87: {  	v4 =	vnsel vm1, $0x0, v4  }
0x88: {  	(xrf2) =	vadd.scan.msk.f32 $0xffff, v61;
	v8 =	vadd.f32 v8, v4;
	_ =	sdelay $0x1  }
0x89: {  	(xrf2) =	vadd.scan.msk.f32 $0xffff, v8;
	_ =	sdelay $0x7  }
0x8a: {  	v8, _, _ =	vpop (xrf2)  }
0x8b: {  	v8 =	vbroadcast v8, $0xF  }
0x8c: {  	v62, _, _ =	vpop (xrf2)  }
0x8d: {  	v63 =	vmul.f32 $9.999999930e-09, v8;
	v9 =	vbroadcast v62, $0xF;
	_ =	sdelay $0x1  }
0x8e: {  	v9 =	vadd.f32 v9, v63;
	_ =	sdelay $0x1  }
0x8f: {  	v8 =	vsel vm0, v8, v9  }
0x90: {  	s11 =	simm.s32 $0x200;
	(erf) = vrcp.f32 v8  }
.LBB2_2:
0x91: {  	_ = 	snop  }
0x92: {  	p0 =	sne.s32 s11, $0x3FE00;
	s12 =	smov.u32 s11;
	s11 =	sadd.s32 $0x200, s11  }
0x93: {  	_ =	sdelay $0x5  }
0x94: {  	v8 =	vpop (erf)  }
0x95: {  	v6 =	vmul.f32 v8, v6;
	v4 =	vmul.f32 v8, v4  }
0x96: {  	v7 =	vmul.f32 v8, v7;
	v5 =	vmul.f32 v8, v5  }
0x97: {  	s12 =	sshra.s32 s12, $0x2;
	[tilespmem:s10+$0x30] =	vst v4  }
0x98: {  	v4 =	vld [tilespmem:s12+$0x30];
	[tilespmem:s10+$0x10] =	vst v6  }
0x99: {  	v6 =	vld [tilespmem:s12+$0x10];
	[tilespmem:s10+$0x20] =	vst v5  }
0x9a: {  	v5 =	vld [tilespmem:s12+$0x20];
	[tilespmem:s10+$0x0] =	vst v7;
	s10 =	smov.u32 s12  }
0x9b: {  	v7 =	vld [tilespmem:s10+$0x0];
	_ =	sdelay $0x1  }
0x9c: {  	v8 =	vand.u32 $0xFFFFFFC0, v4  }
0x9d: {  	v9 =	vor.u32 v3, v8  }
0x9e: {  	v8 =	vand.u32 $0xFFFFFFC0, v6;
	v10 =	vand.u32 $0xFFFFFFC0, v5  }
0x9f: {  	v13 =	vor.u32 v1, v8;
	v11 =	vadd.f32 v6, v7;
	v12 =	vand.u32 $0xFFFFFFC0, v7  }
0xa0: {  	v10 =	vor.u32 v2, v10;
	v12 =	vor.u32 v0, v12  }
0xa1: {  	vm2 =	vgt.s32 v10, v9;
	v8 =	vadd.f32 v5, v11;
	vm1 =	vgt.s32 v12, v13  }
0xa2: {  	v14 =	vsel vm2, v10, v9;
	v11 =	vsel vm1, v12, v13  }
0xa3: {  	v8 =	vadd.f32 v4, v8;
	vm1 =	vgt.s32 v11, v14  }
0xa4: {  	v11 =	vsel vm1, v11, v14  }
0xa5: {  	v11 =	vxor.u32 $0x80000000, v11;
	(xrf2) =	vadd.scan.msk.f32 $0xffff, v8  }
0xa6: {  	(xrf0) =	vmax.scan.msk.u32 $0xffff, v11;
	_ =	sdelay $0x5  }
0xa7: {  	v8, _, _ =	vpop (xrf0)  }
0xa8: {  	(v2sf) =	vpush v8, $0xF;
	_ =	sdelay $0x1  }
0xa9: {  	v8, _, _ =	vpop (xrf2);
	_ =	sdelay $0xc  }
0xaa: {  	s12 =	spop (v2sf)  }
0xab: {  	s12 =	sxor.u32 $0x80000000, s12  }
0xac: {  	vm1 =	veq.s32 v12, s12;
	vm2 =	veq.s32 v13, s12;
	vm3 =	veq.s32 v10, s12  }
0xad: {  	v11 =	vsel vm1, $0xFFFFFFFF, v12;
	v12 =	vsel vm2, $0xFFFFFFFF, v13;
	vm1 =	veq.s32 v9, s12  }
0xae: {  	v10 =	vsel vm3, $0xFFFFFFFF, v10;
	v9 =	vsel vm1, $0xFFFFFFFF, v9;
	vm1 =	vgt.s32 v11, v12  }
0xaf: {  	v13 =	vsel vm1, v11, v12;
	vm1 =	vgt.s32 v10, v9  }
0xb0: {  	v14 =	vsel vm1, v10, v9  }
0xb1: {  	vm1 =	vgt.s32 v13, v14  }
0xb2: {  	v13 =	vsel vm1, v13, v14  }
0xb3: {  	v13 =	vxor.u32 $0x80000000, v13  }
0xb4: {  	(xrf0) =	vmax.scan.msk.u32 $0xffff, v13;
	_ =	sdelay $0x5  }
0xb5: {  	v13, _, _ =	vpop (xrf0)  }
0xb6: {  	(v2sf) =	vpush v13, $0xF;
	_ =	sdelay $0xe  }
0xb7: {  	s12 =	spop (v2sf)  }
0xb8: {  	s12 =	sxor.u32 $0x80000000, s12  }
0xb9: {  	vm1 =	veq.s32 v11, s12;
	vm2 =	veq.s32 v12, s12;
	vm3 =	veq.s32 v10, s12  }
0xba: {  	v11 =	vsel vm1, $0xFFFFFFFF, v11;
	v12 =	vsel vm2, $0xFFFFFFFF, v12;
	vm1 =	veq.s32 v9, s12  }
0xbb: {  	v10 =	vsel vm3, $0xFFFFFFFF, v10;
	v9 =	vsel vm1, $0xFFFFFFFF, v9;
	vm1 =	vgt.s32 v11, v12  }
0xbc: {  	v13 =	vsel vm1, v11, v12;
	vm1 =	vgt.s32 v10, v9  }
0xbd: {  	v14 =	vsel vm1, v10, v9  }
0xbe: {  	vm1 =	vgt.s32 v13, v14  }
0xbf: {  	v13 =	vsel vm1, v13, v14  }
0xc0: {  	v13 =	vxor.u32 $0x80000000, v13  }
0xc1: {  	(xrf0) =	vmax.scan.msk.u32 $0xffff, v13;
	_ =	sdelay $0x5  }
0xc2: {  	v13, _, _ =	vpop (xrf0)  }
0xc3: {  	(v2sf) =	vpush v13, $0xF;
	_ =	sdelay $0xe  }
0xc4: {  	s12 =	spop (v2sf)  }
0xc5: {  	s12 =	sxor.u32 $0x80000000, s12  }
0xc6: {  	vm1 =	veq.s32 v11, s12;
	vm2 =	veq.s32 v12, s12;
	vm3 =	veq.s32 v10, s12  }
0xc7: {  	v11 =	vsel vm1, $0xFFFFFFFF, v11;
	v12 =	vsel vm2, $0xFFFFFFFF, v12;
	vm1 =	veq.s32 v9, s12  }
0xc8: {  	v10 =	vsel vm3, $0xFFFFFFFF, v10;
	v9 =	vsel vm1, $0xFFFFFFFF, v9;
	vm1 =	vgt.s32 v11, v12  }
0xc9: {  	v13 =	vsel vm1, v11, v12;
	vm1 =	vgt.s32 v10, v9  }
0xca: {  	v14 =	vsel vm1, v10, v9  }
0xcb: {  	vm1 =	vgt.s32 v13, v14  }
0xcc: {  	v13 =	vsel vm1, v13, v14  }
0xcd: {  	v13 =	vxor.u32 $0x80000000, v13  }
0xce: {  	(xrf0) =	vmax.scan.msk.u32 $0xffff, v13;
	_ =	sdelay $0x5  }
0xcf: {  	v13, _, _ =	vpop (xrf0)  }
0xd0: {  	(v2sf) =	vpush v13, $0xF;
	_ =	sdelay $0xe  }
0xd1: {  	s12 =	spop (v2sf)  }
0xd2: {  	s12 =	sxor.u32 $0x80000000, s12  }
0xd3: {  	vm1 =	veq.s32 v11, s12;
	vm2 =	veq.s32 v12, s12;
	vm3 =	veq.s32 v10, s12  }
0xd4: {  	v11 =	vsel vm1, $0xFFFFFFFF, v11;
	v12 =	vsel vm2, $0xFFFFFFFF, v12;
	vm1 =	veq.s32 v9, s12  }
0xd5: {  	v10 =	vsel vm3, $0xFFFFFFFF, v10;
	v9 =	vsel vm1, $0xFFFFFFFF, v9;
	vm1 =	vgt.s32 v11, v12  }
0xd6: {  	v13 =	vsel vm1, v11, v12;
	vm1 =	vgt.s32 v10, v9  }
0xd7: {  	v14 =	vsel vm1, v10, v9  }
0xd8: {  	vm1 =	vgt.s32 v13, v14  }
0xd9: {  	v13 =	vsel vm1, v13, v14  }
0xda: {  	v13 =	vxor.u32 $0x80000000, v13  }
0xdb: {  	(xrf0) =	vmax.scan.msk.u32 $0xffff, v13;
	_ =	sdelay $0x5  }
0xdc: {  	v13, _, _ =	vpop (xrf0)  }
0xdd: {  	(v2sf) =	vpush v13, $0xF;
	_ =	sdelay $0xe  }
0xde: {  	s12 =	spop (v2sf)  }
0xdf: {  	s12 =	sxor.u32 $0x80000000, s12  }
0xe0: {  	vm1 =	veq.s32 v11, s12;
	vm2 =	veq.s32 v12, s12;
	vm3 =	veq.s32 v10, s12  }
0xe1: {  	v10 =	vsel vm3, $0xFFFFFFFF, v10;
	vm3 =	veq.s32 v9, s12  }
0xe2: {  	v11 =	vsel vm1, $0xFFFFFFFF, v11;
	v12 =	vsel vm2, $0xFFFFFFFF, v12;
	v9 =	vsel vm3, $0xFFFFFFFF, v9  }
0xe3: {  	vm1 =	vgt.s32 v11, v12;
	vm2 =	vgt.s32 v10, v9  }
0xe4: {  	v13 =	vsel vm1, v11, v12;
	v14 =	vsel vm2, v10, v9  }
0xe5: {  	vm1 =	vgt.s32 v13, v14  }
0xe6: {  	v13 =	vsel vm1, v13, v14  }
0xe7: {  	v13 =	vxor.u32 $0x80000000, v13  }
0xe8: {  	(xrf0) =	vmax.scan.msk.u32 $0xffff, v13;
	_ =	sdelay $0x5  }
0xe9: {  	v13, _, _ =	vpop (xrf0)  }
0xea: {  	(v2sf) =	vpush v13, $0xF;
	_ =	sdelay $0xe  }
0xeb: {  	s12 =	spop (v2sf)  }
0xec: {  	s12 =	sxor.u32 $0x80000000, s12  }
0xed: {  	vm1 =	veq.s32 v11, s12;
	vm2 =	veq.s32 v12, s12;
	vm3 =	veq.s32 v10, s12  }
0xee: {  	v11 =	vsel vm1, $0xFFFFFFFF, v11;
	v12 =	vsel vm2, $0xFFFFFFFF, v12;
	vm1 =	veq.s32 v9, s12  }
0xef: {  	v10 =	vsel vm3, $0xFFFFFFFF, v10;
	v9 =	vsel vm1, $0xFFFFFFFF, v9;
	vm1 =	vgt.s32 v11, v12  }
0xf0: {  	vm2 =	vgt.s32 v10, v9  }
0xf1: {  	v13 =	vsel vm1, v11, v12;
	v14 =	vsel vm2, v10, v9  }
0xf2: {  	vm1 =	vgt.s32 v13, v14  }
0xf3: {  	v13 =	vsel vm1, v13, v14  }
0xf4: {  	v13 =	vxor.u32 $0x80000000, v13  }
0xf5: {  	(xrf0) =	vmax.scan.msk.u32 $0xffff, v13;
	_ =	sdelay $0x5  }
0xf6: {  	v13, _, _ =	vpop (xrf0)  }
0xf7: {  	(v2sf) =	vpush v13, $0xF;
	_ =	sdelay $0xe  }
0xf8: {  	s12 =	spop (v2sf)  }
0xf9: {  	s12 =	sxor.u32 $0x80000000, s12  }
0xfa: {  	vm1 =	veq.s32 v11, s12;
	vm2 =	veq.s32 v12, s12;
	vm3 =	veq.s32 v10, s12  }
0xfb: {  	v11 =	vsel vm1, $0xFFFFFFFF, v11;
	v12 =	vsel vm2, $0xFFFFFFFF, v12;
	vm1 =	veq.s32 v9, s12  }
0xfc: {  	v10 =	vsel vm3, $0xFFFFFFFF, v10;
	v9 =	vsel vm1, $0xFFFFFFFF, v9;
	vm1 =	vgt.s32 v11, v12  }
0xfd: {  	v13 =	vsel vm1, v11, v12;
	vm1 =	vgt.s32 v10, v9  }
0xfe: {  	v14 =	vsel vm1, v10, v9  }
0xff: {  	vm1 =	vgt.s32 v13, v14  }
0x100: {  	v13 =	vsel vm1, v13, v14  }
0x101: {  	v13 =	vxor.u32 $0x80000000, v13  }
0x102: {  	(xrf0) =	vmax.scan.msk.u32 $0xffff, v13;
	_ =	sdelay $0x5  }
0x103: {  	v13, _, _ =	vpop (xrf0)  }
0x104: {  	(v2sf) =	vpush v13, $0xF;
	_ =	sdelay $0xe  }
0x105: {  	vm1 =	vlt.s32 v9, $0x0;
	s12 =	spop (v2sf)  }
0x106: {  	vm2 =	vlt.s32 v11, $0x0;
	vm3 =	vlt.s32 v12, $0x0;
	vm4 =	vlt.s32 v10, $0x0;
	s12 =	sxor.u32 $0x80000000, s12  }
0x107: {  	vm5 =	veq.s32 v11, s12;
	vm6 =	veq.s32 v12, s12;
	vm7 =	veq.s32 v10, s12  }
0x108: {  	vm2 =	vmor vm2, vm5;
	vm3 =	vmor vm3, vm6;
	vm4 =	vmor vm4, vm7  }
0x109: {  	vm2 =	vmor vm0, vm2;
	vm3 =	vmor vm0, vm3;
	vm4 =	vmor vm0, vm4  }
0x10a: {  	vm5 =	veq.s32 v9, s12;
	v7 =	vnsel vm2, $0x0, v7;
	v6 =	vnsel vm3, $0x0, v6  }
0x10b: {  	vm1 =	vmor vm1, vm5;
	v9 =	vadd.f32 v6, v7  }
0x10c: {  	v5 =	vnsel vm4, $0x0, v5;
	vm1 =	vmor vm0, vm1  }
0x10d: {  	v9 =	vadd.f32 v9, v5  }
0x10e: {  	v4 =	vnsel vm1, $0x0, v4  }
0x10f: {  	v9 =	vadd.f32 v9, v4;
	_ =	sdelay $0x1  }
0x110: {  	(xrf2) =	vadd.scan.msk.f32 $0xffff, v9;
	_ =	sdelay $0x8  }
0x111: {  	v8 =	vbroadcast v8, $0xF  }
0x112: {  	v9, _, _ =	vpop (xrf2)  }
0x113: {  	v10 =	vmul.f32 $9.999999930e-09, v8;
	v9 =	vbroadcast v9, $0xF  }
.Ltmp0:
0x114: {  	(pc) =	sbr.rel @p0 .LBB2_2-.Ltmp0, $3  }
0x115: {  	v9 =	vadd.f32 v9, v10;
	_ =	sdelay $0x1  }
0x116: {  	v8 =	vsel vm0, v8, v9  }
0x117: {  	(erf) = vrcp.f32 v8  }
0x118: {  	_ =	sdelay $0x7  }
0x119: {  	v8 =	vpop (erf)  }
0x11a: {  	v4 =	vmul.f32 v8, v4  }
0x11b: {  	v6 =	vmul.f32 v8, v6  }
0x11c: {  	v5 =	vmul.f32 v8, v5;
	[tilespmem:s10+$0x30] =	vst v4  }
0x11d: {  	s9 =	sadd.s32 $0x1, s9;
	v4 =	vmul.f32 v8, v7;
	[tilespmem:s10+$0x10] =	vst v6  }
0x11e: {  	p0 =	sne.s32 s9, s6;
	[tilespmem:s10+$0x20] =	vst v5  }
.Ltmp1:
0x11f: {  	[tilespmem:s10+$0x0] =	vst v4;
	(pc) =	sbr.rel @p0 .LBB2_1-.Ltmp1, $4  }
0x120: {  	[hbm4b:s5+s3] =	stream.linear.scatter [tilespmem:s3], [sflag:$0x1], $0x10000, $0x38;
	[tilespmem:$0x10080] =	vst v63  }
0x121: {  	_ =	swait.ge [sflag:s7], $0x10000  }
0x122: {  	[sflag:s7] =	ssyncset.done $0x0  }
0x123: {  	[sflag:s7] =	ssyncadd.s32 $0xFFFF0000  }
0x124: {  	_ =	sfence.sel $0x180000  }
0x125: {  	[bflag:$0x0] =	sbarrier.arrive $0xFFFF  }
0x126: {  	p0 =	sne.s32 s1, $0x0;
	_ =	strace $0x90000047  }
0x127: {  	s0 =	sadd.s32 @!p0 $0x100000, s0;
	[bflag:$0x2] =	sbarrier.arrive $0xFFFF  }
0x128: {  	[sflag:s0] =	ssyncadd.tile.s32 @!p0 $0x1;
	_ =	shalt  }
.Lfunc_end2:
_tile_overlayer_lowered:
.L_overlay_start_2:
0x129: {  	(tag) =	ssettag $0x2  }
0x12a: {  	s0 =	rddreg [dreg:$0x0];
	s2 =	stileid.u32  }
0x12b: {  	s1 =	rddreg [dreg:$0x1];
	p0 =	sne.s32 s2, $0x0  }
0x12c: {  	s3 =	rddreg [dreg:$0x2];
	[bflag:$0x3] =	sbarrier.arrive $0xFFFF;
	s2 =	simm.s32 @!p0 $0x1C01  }
0x12d: {  	[timem:s3], [sflag:s2] =	dma.local @!p0 [hbm:s0], s1  }
0x12e: {  	s0 =	simm.s32 @!p0 $0x1  }
0x12f: {  	_ =	swait.ge @!p0 [sflag:s0], s1  }
0x130: {  	s1 =	ssub.s32 @!p0 $0x0, s1;
	[sflag:s0] =	ssyncset.done @!p0 $0x0  }
0x131: {  	[sflag:s0] =	ssyncadd.s32 @!p0 s1  }
0x132: {  	[bflag:$0x3] =	sbarrier.arrive $0xFFFF  }
0x133: {  	_ =	shalt  }

</sc_bundles>
